<compile_context>
chip_gen: v7x
topology: tpu7x:2x2x1
jax: 0.10.2.dev20260603
libtpu: 0.0.44.dev20260713+nightly
codegen_flags: <defaults>
</compile_context>

<pallas_src>
import jax
import jax.numpy as jnp
from jax import lax
from jax.experimental import pallas as pl
from jax.experimental.pallas import tpu as pltpu
from jax.experimental.pallas import tpu_sc as plsc

VOCAB = 50000
PROMPT_LEN = 100
D_MODEL = 1024
BATCH = 4
SEQ = 8192
NTOK = BATCH * SEQ

_info = plsc.get_sparse_core_info()
NC, NS, L = _info.num_cores, _info.num_subcores, _info.num_lanes
NW = NC * NS
TPW = NTOK // NW
NGRP = TPW // L
R = 16
NSUB = TPW // R
NBUF = 4


def _body(ids_hbm, embed_hbm, prompt_hbm, out_hbm,
          raw_v, safe_v, pos_v, pid_v, bufs_v, pbuf_v, sem1, *semgw):
  semg = semgw[:NBUF]
  semw = semgw[NBUF:]
  wid = lax.axis_index("s") * NC + lax.axis_index("c")
  base = wid * TPW

  pltpu.sync_copy(ids_hbm.at[pl.ds(base, TPW)], raw_v)

  def safe_grp(g):
    v = raw_v[pl.ds(g * L, L)]
    safe_v[pl.ds(g * L, L)] = jnp.where(v >= VOCAB, v - VOCAB, v)

  def compact_grp(g, k):
    v = raw_v[pl.ds(g * L, L)]
    mask = v >= VOCAB
    mi = jnp.where(mask, 1, 0).astype(jnp.int32)
    tgt = k + plsc.cumsum(mi) - 1
    pos = base + g * L + lax.iota(jnp.int32, L)
    pid = jnp.clip(v - VOCAB, 0, PROMPT_LEN - 1)
    plsc.store_scatter(pos_v, [tgt], pos, mask=mask)
    plsc.store_scatter(pid_v, [tgt], pid, mask=mask)
    return k + jnp.sum(mi)

  def gsrc(s):
    return embed_hbm.at[safe_v.at[pl.ds(s * R, R)]]

  def wdst(s):
    return out_hbm.at[pl.ds(base + s * R, R)]

  for b in range(NBUF):
    safe_grp(b)
    pltpu.async_copy(gsrc(b), bufs_v.at[b], semg[b])

  NRND = NSUB // NBUF

  def rnd(j, k):
    for b in range(NBUF):
      s = j * NBUF + b
      k = compact_grp(s, k)

      @pl.when(j < NRND - 1)
      def _():
        safe_grp(s + NBUF)

      pltpu.make_async_copy(gsrc(s), bufs_v.at[b], semg[b]).wait()
      pltpu.async_copy(bufs_v.at[b], wdst(s), semw[b])

      @pl.when(j < NRND - 1)
      def _():
        pltpu.make_async_copy(bufs_v.at[b], wdst(s), semw[b]).wait()
        pltpu.async_copy(gsrc(s + NBUF), bufs_v.at[b], semg[b])

    return k

  k = lax.fori_loop(0, NRND, rnd, jnp.int32(0))
  for b in range(NBUF):
    pltpu.make_async_copy(bufs_v.at[b], wdst(NSUB - NBUF + b), semw[b]).wait()

  @pl.when(k > 0)
  def _():
    lane = lax.iota(jnp.int32, L)
    lane0 = lane == 0
    e0pos = jnp.sum(jnp.where(lane0, pos_v[pl.ds(0, L)], 0))
    e0pid = jnp.sum(jnp.where(lane0, pid_v[pl.ds(0, L)], 0))
    fill_idx = k + lane
    plsc.store_scatter(pos_v, [fill_idx], jnp.zeros((L,), jnp.int32) + e0pos)
    plsc.store_scatter(pid_v, [fill_idx], jnp.zeros((L,), jnp.int32) + e0pid)

    nch = (k + L - 1) // L

    def fix(j, _):
      pidx = pid_v[pl.ds(j * L, L)]
      posx = pos_v[pl.ds(j * L, L)]
      pltpu.async_copy(prompt_hbm.at[pidx], pbuf_v, sem1).wait()
      pltpu.async_copy(pbuf_v, out_hbm.at[posx], sem1).wait()
      return 0

    lax.fori_loop(0, nch, fix, 0)


@jax.jit
def _run(ids_flat, embed_table, prompt_table):
  mesh = plsc.VectorSubcoreMesh(core_axis_name="c", subcore_axis_name="s")
  f = pl.kernel(
      _body,
      out_type=jax.ShapeDtypeStruct((NTOK, D_MODEL), jnp.float32),
      mesh=mesh,
      compiler_params=pltpu.CompilerParams(needs_layout_passes=False),
      scratch_types=[
          pltpu.VMEM((TPW,), jnp.int32),
          pltpu.VMEM((TPW,), jnp.int32),
          pltpu.VMEM((TPW + L,), jnp.int32),
          pltpu.VMEM((TPW + L,), jnp.int32),
          pltpu.VMEM((NBUF, R, D_MODEL), jnp.float32),
          pltpu.VMEM((L, D_MODEL), jnp.float32),
          pltpu.SemaphoreType.DMA,
      ] + [pltpu.SemaphoreType.DMA] * (2 * NBUF),
  )
  return f(ids_flat, embed_table, prompt_table)


def kernel(input_ids, labels, embed_table, prompt_table):
  del labels
  out = _run(input_ids.reshape(-1), embed_table, prompt_table)
  return out.reshape(BATCH, SEQ, D_MODEL)

# --- scband reference (transcript-rebuilt; emitter-appended) ---
"""Pipeline reference for scband-ptuning-wrapper-87643102642393 (READ-ONLY COPY).

The authoritative reference and input builder live on the scoring server;
editing this copy changes nothing except your own understanding.
"""

import jax, jax.numpy as jnp
import numpy as np

VOCAB = 50000
PROMPT_LEN = 100
D_MODEL = 1024
REPLACING_TOKEN_ID = 0
BATCH = 4
SEQ = 8192


def setup_inputs(seed: int = 0) -> dict:
    key = jax.random.key(seed)
    k1, k2, k3, k4 = jax.random.split(key, 4)
    # token ids in [0, VOCAB + PROMPT_LEN); ids >= VOCAB are prompt tokens
    input_ids = jax.random.randint(k1, (BATCH, SEQ), 0, VOCAB + PROMPT_LEN, dtype=jnp.int32)
    labels = jax.random.randint(k2, (BATCH, SEQ), 0, VOCAB + PROMPT_LEN, dtype=jnp.int32)
    # frozen model input embedding table
    embed_table = jax.random.normal(k3, (VOCAB, D_MODEL), dtype=jnp.float32) * 0.02
    # prompt encoder embedding table (learned prompt embeddings, id_offset = VOCAB)
    prompt_table = jax.random.normal(k4, (PROMPT_LEN, D_MODEL), dtype=jnp.float32) * 0.02
    return {
        "input_ids": input_ids,
        "labels": labels,
        "embed_table": embed_table,
        "prompt_table": prompt_table,
    }


def reference(input_ids, labels, embed_table, prompt_table):
    # prompt_token_fn default branch: t >= vocab_size
    prompt_mask = input_ids >= VOCAB
    # replace prompt tokens with replacing_token_id so they index the frozen table safely
    input_ids_ = jnp.where(prompt_mask, REPLACING_TOKEN_ID, input_ids)
    # model embedding lookup (gather)
    inputs_embeds = jnp.take(embed_table, input_ids_, axis=0)
    # prompt encoder: gather prompt embeddings by (id - id_offset)
    prompt_idx = jnp.clip(input_ids - VOCAB, 0, PROMPT_LEN - 1)
    prompt_embeds = jnp.take(prompt_table, prompt_idx, axis=0)
    # masked scatter-overwrite: inputs_embeds[encoder_masks] = prompt_embeds
    inputs_embeds = jnp.where(prompt_mask[..., None], prompt_embeds, inputs_embeds)
    # the wrapper passes inputs_embeds into the underlying transformer; the wrapper's
    # own computation (the scatter_memory op under test) ends here
    return inputs_embeds

if __name__ == "__main__":
    import jax
    _d = setup_inputs()
    print(jax.jit(kernel)(*tuple(_d.values())))

</pallas_src>

<mosaic_0001>
#map = affine_map<(d0, d1) -> (0)>
#map1 = affine_map<(d0, d1) -> (0, 0)>
module attributes {stable_mosaic.version = 14 : i64} {
  func.func @_body(%arg0: i32, %arg1: i32, %arg2: memref<32768xi32, #tpu.memory_space<hbm>>, %arg3: memref<50000x1024xf32, #tpu.memory_space<hbm>>, %arg4: memref<100x1024xf32, #tpu.memory_space<hbm>>, %arg5: memref<32768x1024xf32, #tpu.memory_space<hbm>>, %arg6: memref<1024xi32, #tpu.memory_space<vmem>>, %arg7: memref<1024xi32, #tpu.memory_space<vmem>>, %arg8: memref<1040xi32, #tpu.memory_space<vmem>>, %arg9: memref<1040xi32, #tpu.memory_space<vmem>>, %arg10: memref<4x16x1024xf32, #tpu.memory_space<vmem>>, %arg11: memref<16x1024xf32, #tpu.memory_space<vmem>>, %arg12: memref<!tpu.dma_semaphore, #tpu.memory_space<semaphore_mem>>, %arg13: memref<!tpu.dma_semaphore, #tpu.memory_space<semaphore_mem>>, %arg14: memref<!tpu.dma_semaphore, #tpu.memory_space<semaphore_mem>>, %arg15: memref<!tpu.dma_semaphore, #tpu.memory_space<semaphore_mem>>, %arg16: memref<!tpu.dma_semaphore, #tpu.memory_space<semaphore_mem>>, %arg17: memref<!tpu.dma_semaphore, #tpu.memory_space<semaphore_mem>>, %arg18: memref<!tpu.dma_semaphore, #tpu.memory_space<semaphore_mem>>, %arg19: memref<!tpu.dma_semaphore, #tpu.memory_space<semaphore_mem>>, %arg20: memref<!tpu.dma_semaphore, #tpu.memory_space<semaphore_mem>>) attributes {dimension_semantics = [#tpu.dimension_semantics<core_parallel>, #tpu.dimension_semantics<subcore_parallel>], iteration_bounds = array<i64: 2, 16>, scalar_prefetch = 0 : i64, scratch_operands = 15 : i64, tpu.core_type = #tpu.core_type<sc_vector_subcore>, window_params = [{transform_indices = #map}, {transform_indices = #map1}, {transform_indices = #map1}, {transform_indices = #map1}]} {
    %mul3A = arith.constant 2 : i32
    %mul3A_0 = arith.muli %arg1, %mul3A : i32
    %add3A = arith.addi %mul3A_0, %arg0 : i32
    %mul3A_1 = arith.constant 1024 : i32
    %mul3A_2 = arith.muli %add3A, %mul3A_1 : i32
    "tpu.region"() ({
      %run_scoped3A = tpu.sem_alloc : memref<!tpu.dma_semaphore, #tpu.memory_space<semaphore_mem>>
      %dma_start3A_148 = tpu.memref_slice %arg2[%mul3A_2] : memref<32768xi32, #tpu.memory_space<hbm>> -> memref<1024xi32, #tpu.memory_space<hbm>>
      %dma_start3A_149 = tpu.memref_slice %arg2[%mul3A_2] : memref<32768xi32, #tpu.memory_space<hbm>> -> memref<1024xi32, #tpu.memory_space<hbm>>
      tpu.enqueue_dma source(%dma_start3A_149 : memref<1024xi32, #tpu.memory_space<hbm>>) target(%arg6 : memref<1024xi32, #tpu.memory_space<vmem>>) target_semaphore(%run_scoped3A : memref<!tpu.dma_semaphore, #tpu.memory_space<semaphore_mem>>)
      %dma_wait3A_150 = tpu.memref_slice %arg2[%mul3A_2] : memref<32768xi32, #tpu.memory_space<hbm>> -> memref<1024xi32, #tpu.memory_space<hbm>>
      %dma_wait3A_151 = tpu.memref_slice %arg2[%mul3A_2] : memref<32768xi32, #tpu.memory_space<hbm>> -> memref<1024xi32, #tpu.memory_space<hbm>>
      tpu.wait_dma2 semaphore(%run_scoped3A : memref<!tpu.dma_semaphore, #tpu.memory_space<semaphore_mem>>) src(%dma_wait3A_151 : memref<1024xi32, #tpu.memory_space<hbm>>) dst(%arg6 : memref<1024xi32, #tpu.memory_space<vmem>>)
      tpu.yield
    }) : () -> ()
    %get3A = arith.constant 0 : index
    %get3A_3 = tpu.vector_load %arg6[%get3A] {strides = array<i32>} : memref<1024xi32, #tpu.memory_space<vmem>>, vector<16xi32>,
    %ge3A = arith.constant 50000 : i32
    %ge3A_4 = vector.broadcast %ge3A : i32 to vector<16xi32>
    %ge3A_5 = arith.cmpi sge, %get3A_3, %ge3A_4 : vector<16xi32>
    %sub3A = arith.constant 50000 : i32
    %sub3A_6 = vector.broadcast %sub3A : i32 to vector<16xi32>
    %sub3A_7 = arith.subi %get3A_3, %sub3A_6 : vector<16xi32>
    %select_n3A = arith.select %ge3A_5, %sub3A_7, %get3A_3 : vector<16xi1>, vector<16xi32>
    %swap3A = arith.constant 0 : index
    %swap3A_8 = tpu.vector_load %arg7[%swap3A] {strides = array<i32>} : memref<1024xi32, #tpu.memory_space<vmem>>, vector<16xi32>,
    tpu.vector_store %arg7[%swap3A], %select_n3A {strides = array<i32>} : memref<1024xi32, #tpu.memory_space<vmem>>, vector<16xi32>,
    %dma_start3A = arith.constant 0 : i32
    %dma_start3A_9 = arith.constant 0 : i32
    %dma_start3A_10 = arith.constant 0 : i32
    %dma_start3A_11 = tpu.memref_slice %arg10[%dma_start3A, %dma_start3A_9, %dma_start3A_10] : memref<4x16x1024xf32, #tpu.memory_space<vmem>> -> memref<1x16x1024xf32, #tpu.memory_space<vmem>>
    %dma_start3A_12 = tpu.memref_squeeze %dma_start3A_11 : memref<1x16x1024xf32, #tpu.memory_space<vmem>> -> memref<16x1024xf32, #tpu.memory_space<vmem>>
    %dma_start3A_13 = arith.constant 0 : i32
    %dma_start3A_14 = tpu.memref_slice %arg7[%dma_start3A_13] : memref<1024xi32, #tpu.memory_space<vmem>> -> memref<16xi32, #tpu.memory_space<vmem>>
    %dma_start3A_15 = arith.constant 0 : i32
    %dma_start3A_16 = arith.constant 0 : i32
    %dma_start3A_17 = tpu.memref_slice %arg3[%dma_start3A_15, %dma_start3A_16] : memref<50000x1024xf32, #tpu.memory_space<hbm>> -> memref<50000x1024xf32, #tpu.memory_space<hbm>>
    tpu.enqueue_indirect_dma source(%dma_start3A_17 : memref<50000x1024xf32, #tpu.memory_space<hbm>>) target(%dma_start3A_12 : memref<16x1024xf32, #tpu.memory_space<vmem>>) offsets(%dma_start3A_14 : memref<16xi32, #tpu.memory_space<vmem>>) semaphore(%arg13 : memref<!tpu.dma_semaphore, #tpu.memory_space<semaphore_mem>>)
    %get3A_18 = arith.constant 16 : index
    %get3A_19 = tpu.vector_load %arg6[%get3A_18] {strides = array<i32>} : memref<1024xi32, #tpu.memory_space<vmem>>, vector<16xi32>,
    %ge3A_20 = arith.constant 50000 : i32
    %ge3A_21 = vector.broadcast %ge3A_20 : i32 to vector<16xi32>
    %ge3A_22 = arith.cmpi sge, %get3A_19, %ge3A_21 : vector<16xi32>
    %sub3A_23 = arith.constant 50000 : i32
    %sub3A_24 = vector.broadcast %sub3A_23 : i32 to vector<16xi32>
    %sub3A_25 = arith.subi %get3A_19, %sub3A_24 : vector<16xi32>
    %select_n3A_26 = arith.select %ge3A_22, %sub3A_25, %get3A_19 : vector<16xi1>, vector<16xi32>
    %swap3A_27 = arith.constant 16 : index
    %swap3A_28 = tpu.vector_load %arg7[%swap3A_27] {strides = array<i32>} : memref<1024xi32, #tpu.memory_space<vmem>>, vector<16xi32>,
    tpu.vector_store %arg7[%swap3A_27], %select_n3A_26 {strides = array<i32>} : memref<1024xi32, #tpu.memory_space<vmem>>, vector<16xi32>,
    %dma_start3A_29 = arith.constant 1 : i32
    %dma_start3A_30 = arith.constant 0 : i32
    %dma_start3A_31 = arith.constant 0 : i32
    %dma_start3A_32 = tpu.memref_slice %arg10[%dma_start3A_29, %dma_start3A_30, %dma_start3A_31] : memref<4x16x1024xf32, #tpu.memory_space<vmem>> -> memref<1x16x1024xf32, #tpu.memory_space<vmem>>
    %dma_start3A_33 = tpu.memref_squeeze %dma_start3A_32 : memref<1x16x1024xf32, #tpu.memory_space<vmem>> -> memref<16x1024xf32, #tpu.memory_space<vmem>>
    %dma_start3A_34 = arith.constant 16 : i32
    %dma_start3A_35 = tpu.memref_slice %arg7[%dma_start3A_34] : memref<1024xi32, #tpu.memory_space<vmem>> -> memref<16xi32, #tpu.memory_space<vmem>>
    %dma_start3A_36 = arith.constant 0 : i32
    %dma_start3A_37 = arith.constant 0 : i32
    %dma_start3A_38 = tpu.memref_slice %arg3[%dma_start3A_36, %dma_start3A_37] : memref<50000x1024xf32, #tpu.memory_space<hbm>> -> memref<50000x1024xf32, #tpu.memory_space<hbm>>
    tpu.enqueue_indirect_dma source(%dma_start3A_38 : memref<50000x1024xf32, #tpu.memory_space<hbm>>) target(%dma_start3A_33 : memref<16x1024xf32, #tpu.memory_space<vmem>>) offsets(%dma_start3A_35 : memref<16xi32, #tpu.memory_space<vmem>>) semaphore(%arg14 : memref<!tpu.dma_semaphore, #tpu.memory_space<semaphore_mem>>)
    %get3A_39 = arith.constant 32 : index
    %get3A_40 = tpu.vector_load %arg6[%get3A_39] {strides = array<i32>} : memref<1024xi32, #tpu.memory_space<vmem>>, vector<16xi32>,
    %ge3A_41 = arith.constant 50000 : i32
    %ge3A_42 = vector.broadcast %ge3A_41 : i32 to vector<16xi32>
    %ge3A_43 = arith.cmpi sge, %get3A_40, %ge3A_42 : vector<16xi32>
    %sub3A_44 = arith.constant 50000 : i32
    %sub3A_45 = vector.broadcast %sub3A_44 : i32 to vector<16xi32>
    %sub3A_46 = arith.subi %get3A_40, %sub3A_45 : vector<16xi32>
    %select_n3A_47 = arith.select %ge3A_43, %sub3A_46, %get3A_40 : vector<16xi1>, vector<16xi32>
    %swap3A_48 = arith.constant 32 : index
    %swap3A_49 = tpu.vector_load %arg7[%swap3A_48] {strides = array<i32>} : memref<1024xi32, #tpu.memory_space<vmem>>, vector<16xi32>,
    tpu.vector_store %arg7[%swap3A_48], %select_n3A_47 {strides = array<i32>} : memref<1024xi32, #tpu.memory_space<vmem>>, vector<16xi32>,
    %dma_start3A_50 = arith.constant 2 : i32
    %dma_start3A_51 = arith.constant 0 : i32
    %dma_start3A_52 = arith.constant 0 : i32
    %dma_start3A_53 = tpu.memref_slice %arg10[%dma_start3A_50, %dma_start3A_51, %dma_start3A_52] : memref<4x16x1024xf32, #tpu.memory_space<vmem>> -> memref<1x16x1024xf32, #tpu.memory_space<vmem>>
    %dma_start3A_54 = tpu.memref_squeeze %dma_start3A_53 : memref<1x16x1024xf32, #tpu.memory_space<vmem>> -> memref<16x1024xf32, #tpu.memory_space<vmem>>
    %dma_start3A_55 = arith.constant 32 : i32
    %dma_start3A_56 = tpu.memref_slice %arg7[%dma_start3A_55] : memref<1024xi32, #tpu.memory_space<vmem>> -> memref<16xi32, #tpu.memory_space<vmem>>
    %dma_start3A_57 = arith.constant 0 : i32
    %dma_start3A_58 = arith.constant 0 : i32
    %dma_start3A_59 = tpu.memref_slice %arg3[%dma_start3A_57, %dma_start3A_58] : memref<50000x1024xf32, #tpu.memory_space<hbm>> -> memref<50000x1024xf32, #tpu.memory_space<hbm>>
    tpu.enqueue_indirect_dma source(%dma_start3A_59 : memref<50000x1024xf32, #tpu.memory_space<hbm>>) target(%dma_start3A_54 : memref<16x1024xf32, #tpu.memory_space<vmem>>) offsets(%dma_start3A_56 : memref<16xi32, #tpu.memory_space<vmem>>) semaphore(%arg15 : memref<!tpu.dma_semaphore, #tpu.memory_space<semaphore_mem>>)
    %get3A_60 = arith.constant 48 : index
    %get3A_61 = tpu.vector_load %arg6[%get3A_60] {strides = array<i32>} : memref<1024xi32, #tpu.memory_space<vmem>>, vector<16xi32>,
    %ge3A_62 = arith.constant 50000 : i32
    %ge3A_63 = vector.broadcast %ge3A_62 : i32 to vector<16xi32>
    %ge3A_64 = arith.cmpi sge, %get3A_61, %ge3A_63 : vector<16xi32>
    %sub3A_65 = arith.constant 50000 : i32
    %sub3A_66 = vector.broadcast %sub3A_65 : i32 to vector<16xi32>
    %sub3A_67 = arith.subi %get3A_61, %sub3A_66 : vector<16xi32>
    %select_n3A_68 = arith.select %ge3A_64, %sub3A_67, %get3A_61 : vector<16xi1>, vector<16xi32>
    %swap3A_69 = arith.constant 48 : index
    %swap3A_70 = tpu.vector_load %arg7[%swap3A_69] {strides = array<i32>} : memref<1024xi32, #tpu.memory_space<vmem>>, vector<16xi32>,
    tpu.vector_store %arg7[%swap3A_69], %select_n3A_68 {strides = array<i32>} : memref<1024xi32, #tpu.memory_space<vmem>>, vector<16xi32>,
    %dma_start3A_71 = arith.constant 3 : i32
    %dma_start3A_72 = arith.constant 0 : i32
    %dma_start3A_73 = arith.constant 0 : i32
    %dma_start3A_74 = tpu.memref_slice %arg10[%dma_start3A_71, %dma_start3A_72, %dma_start3A_73] : memref<4x16x1024xf32, #tpu.memory_space<vmem>> -> memref<1x16x1024xf32, #tpu.memory_space<vmem>>
    %dma_start3A_75 = tpu.memref_squeeze %dma_start3A_74 : memref<1x16x1024xf32, #tpu.memory_space<vmem>> -> memref<16x1024xf32, #tpu.memory_space<vmem>>
    %dma_start3A_76 = arith.constant 48 : i32
    %dma_start3A_77 = tpu.memref_slice %arg7[%dma_start3A_76] : memref<1024xi32, #tpu.memory_space<vmem>> -> memref<16xi32, #tpu.memory_space<vmem>>
    %dma_start3A_78 = arith.constant 0 : i32
    %dma_start3A_79 = arith.constant 0 : i32
    %dma_start3A_80 = tpu.memref_slice %arg3[%dma_start3A_78, %dma_start3A_79] : memref<50000x1024xf32, #tpu.memory_space<hbm>> -> memref<50000x1024xf32, #tpu.memory_space<hbm>>
    tpu.enqueue_indirect_dma source(%dma_start3A_80 : memref<50000x1024xf32, #tpu.memory_space<hbm>>) target(%dma_start3A_75 : memref<16x1024xf32, #tpu.memory_space<vmem>>) offsets(%dma_start3A_77 : memref<16xi32, #tpu.memory_space<vmem>>) semaphore(%arg16 : memref<!tpu.dma_semaphore, #tpu.memory_space<semaphore_mem>>)
    %scan3A = arith.constant 0 : i32
    %scan3A_81 = arith.constant 0 : i32
    %scan3A_82 = arith.constant 16 : i32
    %scan3A_83 = arith.addi %scan3A_81, %scan3A_82 : i32
    %scan3A_84 = arith.constant 1 : i32
    %scan3A_85 = scf.for %scan3A_148 = %scan3A_81 to %scan3A_83 step %scan3A_84 iter_args(%scan3A_149 = %scan3A) -> (i32)  : i32 {
      %mul3A_150 = arith.constant 4 : i32
      %mul3A_151 = arith.muli %scan3A_148, %mul3A_150 : i32
      %add3A_152 = arith.constant 0 : i32
      %add3A_153 = arith.addi %mul3A_151, %add3A_152 : i32
      %mul3A_154 = arith.constant 16 : i32
      %mul3A_155 = arith.muli %add3A_153, %mul3A_154 : i32
      %get3A_156 = arith.index_cast %mul3A_155 : i32 to index
      %get3A_157 = tpu.vector_load %arg6[%get3A_156] {strides = array<i32>} : memref<1024xi32, #tpu.memory_space<vmem>>, vector<16xi32>,
      %ge3A_158 = arith.constant 50000 : i32
      %ge3A_159 = vector.broadcast %ge3A_158 : i32 to vector<16xi32>
      %ge3A_160 = arith.cmpi sge, %get3A_157, %ge3A_159 : vector<16xi32>
      %jit3A = arith.constant 1 : i32
      %jit3A_161 = arith.constant 0 : i32
      %broadcast_in_dim3A = vector.broadcast %jit3A : i32 to vector<16xi32>
      %broadcast_in_dim3A_162 = vector.broadcast %jit3A_161 : i32 to vector<16xi32>
      %select_n3A_163 = arith.select %ge3A_160, %broadcast_in_dim3A, %broadcast_in_dim3A_162 : vector<16xi1>, vector<16xi32>
      %broadcast_in_dim3A_164 = arith.constant true
      %broadcast_in_dim3A_165 = vector.broadcast %broadcast_in_dim3A_164 : i1 to vector<16xi1>
      %masked_cumsum3A = tpu.scan <sum>, %select_n3A_163 masked %broadcast_in_dim3A_165 : vector<16xi32>, vector<16xi1> -> vector<16xi32>
      %add3A_166 = vector.broadcast %scan3A_149 : i32 to vector<16xi32>
      %add3A_167 = arith.addi %add3A_166, %masked_cumsum3A : vector<16xi32>
      %sub3A_168 = arith.constant 1 : i32
      %sub3A_169 = vector.broadcast %sub3A_168 : i32 to vector<16xi32>
      %sub3A_170 = arith.subi %add3A_167, %sub3A_169 : vector<16xi32>
      %mul3A_171 = arith.constant 16 : i32
      %mul3A_172 = arith.muli %add3A_153, %mul3A_171 : i32
      %add3A_173 = arith.addi %mul3A_2, %mul3A_172 : i32
      %iota3A = tpu.iota {dimensions = array<i32: 0>} : vector<16xi32>
      %add3A_174 = vector.broadcast %add3A_173 : i32 to vector<16xi32>
      %add3A_175 = arith.addi %add3A_174, %iota3A : vector<16xi32>
      %sub3A_176 = arith.constant 50000 : i32
      %sub3A_177 = vector.broadcast %sub3A_176 : i32 to vector<16xi32>
      %sub3A_178 = arith.subi %get3A_157, %sub3A_177 : vector<16xi32>
      %jit3A_179 = arith.constant 0 : i32
      %jit3A_180 = arith.constant 99 : i32
      %max3A = vector.broadcast %jit3A_179 : i32 to vector<16xi32>
      %max3A_181 = arith.maxsi %max3A, %sub3A_178 : vector<16xi32>
      %min3A = vector.broadcast %jit3A_180 : i32 to vector<16xi32>
      %min3A_182 = arith.minsi %min3A, %max3A_181 : vector<16xi32>
      tpu.vector_store_idx %arg8[%sub3A_170], %add3A_175 masked %ge3A_160 : memref<1040xi32, #tpu.memory_space<vmem>>[vector<16xi32>], vector<16xi32>, vector<16xi1>
      tpu.vector_store_idx %arg9[%sub3A_170], %min3A_182 masked %ge3A_160 : memref<1040xi32, #tpu.memory_space<vmem>>[vector<16xi32>], vector<16xi32>, vector<16xi1>
      %reduce_sum3A = arith.constant true
      %reduce_sum3A_183 = vector.broadcast %reduce_sum3A : i1 to vector<16xi1>
      %reduce_sum3A_184 = tpu.scan <sum>, %select_n3A_163 masked %reduce_sum3A_183 : vector<16xi32>, vector<16xi1> -> vector<16xi32>
      %reduce_sum3A_185 = vector.extract %reduce_sum3A_184[15] : i32 from vector<16xi32>
      %add3A_186 = arith.addi %scan3A_149, %reduce_sum3A_185 : i32
      %lt3A = arith.constant 15 : i32
      %lt3A_187 = arith.cmpi slt, %scan3A_148, %lt3A : i32
      %convert_element_type3A_188 = arith.extui %lt3A_187 : i1 to i32
      %cond3A_189 = arith.constant 0 : i32
      %cond3A_190 = arith.cmpi ne, %convert_element_type3A_188, %cond3A_189 : i32
      scf.if %cond3A_190 {
        %add3A_466 = arith.constant 4 : i32
        %add3A_467 = arith.addi %add3A_153, %add3A_466 : i32
        %mul3A_468 = arith.constant 16 : i32
        %mul3A_469 = arith.muli %add3A_467, %mul3A_468 : i32
        %get3A_470 = arith.index_cast %mul3A_469 : i32 to index
        %get3A_471 = tpu.vector_load %arg6[%get3A_470] {strides = array<i32>} : memref<1024xi32, #tpu.memory_space<vmem>>, vector<16xi32>,
        %ge3A_472 = arith.constant 50000 : i32
        %ge3A_473 = vector.broadcast %ge3A_472 : i32 to vector<16xi32>
        %ge3A_474 = arith.cmpi sge, %get3A_471, %ge3A_473 : vector<16xi32>
        %sub3A_475 = arith.constant 50000 : i32
        %sub3A_476 = vector.broadcast %sub3A_475 : i32 to vector<16xi32>
        %sub3A_477 = arith.subi %get3A_471, %sub3A_476 : vector<16xi32>
        %select_n3A_478 = arith.select %ge3A_474, %sub3A_477, %get3A_471 : vector<16xi1>, vector<16xi32>
        %mul3A_479 = arith.constant 16 : i32
        %mul3A_480 = arith.muli %add3A_467, %mul3A_479 : i32
        %swap3A_481 = arith.index_cast %mul3A_480 : i32 to index
        %swap3A_482 = tpu.vector_load %arg7[%swap3A_481] {strides = array<i32>} : memref<1024xi32, #tpu.memory_space<vmem>>, vector<16xi32>,
        tpu.vector_store %arg7[%swap3A_481], %select_n3A_478 {strides = array<i32>} : memref<1024xi32, #tpu.memory_space<vmem>>, vector<16xi32>,
      } else {
      }
      %mul3A_191 = arith.constant 16 : i32
      %mul3A_192 = arith.muli %add3A_153, %mul3A_191 : i32
      %dma_wait3A_193 = arith.constant 0 : i32
      %dma_wait3A_194 = arith.constant 0 : i32
      %dma_wait3A_195 = arith.constant 0 : i32
      %dma_wait3A_196 = tpu.memref_slice %arg10[%dma_wait3A_193, %dma_wait3A_194, %dma_wait3A_195] : memref<4x16x1024xf32, #tpu.memory_space<vmem>> -> memref<1x16x1024xf32, #tpu.memory_space<vmem>>
      %dma_wait3A_197 = tpu.memref_squeeze %dma_wait3A_196 : memref<1x16x1024xf32, #tpu.memory_space<vmem>> -> memref<16x1024xf32, #tpu.memory_space<vmem>>
      %dma_wait3A_198 = tpu.memref_slice %arg7[%mul3A_192] : memref<1024xi32, #tpu.memory_space<vmem>> -> memref<16xi32, #tpu.memory_space<vmem>>
      %dma_wait3A_199 = arith.constant 0 : i32
      %dma_wait3A_200 = arith.constant 0 : i32
      %dma_wait3A_201 = tpu.memref_slice %arg3[%dma_wait3A_199, %dma_wait3A_200] : memref<50000x1024xf32, #tpu.memory_space<hbm>> -> memref<50000x1024xf32, #tpu.memory_space<hbm>>
      tpu.wait_indirect_dma semaphore(%arg13 : memref<!tpu.dma_semaphore, #tpu.memory_space<semaphore_mem>>) src(%dma_wait3A_201 : memref<50000x1024xf32, #tpu.memory_space<hbm>>) dst(%dma_wait3A_197 : memref<16x1024xf32, #tpu.memory_space<vmem>>)
      %mul3A_202 = arith.constant 16 : i32
      %mul3A_203 = arith.muli %add3A_153, %mul3A_202 : i32
      %add3A_204 = arith.addi %mul3A_2, %mul3A_203 : i32
      %dma_start3A_205 = arith.constant 0 : i32
      %dma_start3A_206 = arith.constant 0 : i32
      %dma_start3A_207 = arith.constant 0 : i32
      %dma_start3A_208 = tpu.memref_slice %arg10[%dma_start3A_205, %dma_start3A_206, %dma_start3A_207] : memref<4x16x1024xf32, #tpu.memory_space<vmem>> -> memref<1x16x1024xf32, #tpu.memory_space<vmem>>
      %dma_start3A_209 = tpu.memref_squeeze %dma_start3A_208 : memref<1x16x1024xf32, #tpu.memory_space<vmem>> -> memref<16x1024xf32, #tpu.memory_space<vmem>>
      %dma_start3A_210 = arith.constant 0 : i32
      %dma_start3A_211 = tpu.memref_slice %arg5[%add3A_204, %dma_start3A_210] : memref<32768x1024xf32, #tpu.memory_space<hbm>> -> memref<16x1024xf32, #tpu.memory_space<hbm>>
      %dma_start3A_212 = arith.constant 0 : i32
      %dma_start3A_213 = tpu.memref_slice %arg5[%add3A_204, %dma_start3A_212] : memref<32768x1024xf32, #tpu.memory_space<hbm>> -> memref<16x1024xf32, #tpu.memory_space<hbm>>
      %dma_start3A_214 = arith.constant 0 : i32
      %dma_start3A_215 = arith.constant 0 : i32
      %dma_start3A_216 = tpu.memref_slice %arg10[%dma_start3A_205, %dma_start3A_214, %dma_start3A_215] : memref<4x16x1024xf32, #tpu.memory_space<vmem>> -> memref<1x16x1024xf32, #tpu.memory_space<vmem>>
      %dma_start3A_217 = tpu.memref_squeeze %dma_start3A_216 : memref<1x16x1024xf32, #tpu.memory_space<vmem>> -> memref<16x1024xf32, #tpu.memory_space<vmem>>
      tpu.enqueue_dma source(%dma_start3A_217 : memref<16x1024xf32, #tpu.memory_space<vmem>>) target(%dma_start3A_213 : memref<16x1024xf32, #tpu.memory_space<hbm>>) target_semaphore(%arg17 : memref<!tpu.dma_semaphore, #tpu.memory_space<semaphore_mem>>)
      %lt3A_218 = arith.constant 15 : i32
      %lt3A_219 = arith.cmpi slt, %scan3A_148, %lt3A_218 : i32
      %convert_element_type3A_220 = arith.extui %lt3A_219 : i1 to i32
      %cond3A_221 = arith.constant 0 : i32
      %cond3A_222 = arith.cmpi ne, %convert_element_type3A_220, %cond3A_221 : i32
      scf.if %cond3A_222 {
        %mul3A_466 = arith.constant 16 : i32
        %mul3A_467 = arith.muli %add3A_153, %mul3A_466 : i32
        %add3A_468 = arith.addi %mul3A_2, %mul3A_467 : i32
        %dma_wait3A_469 = arith.constant 0 : i32
        %dma_wait3A_470 = arith.constant 0 : i32
        %dma_wait3A_471 = arith.constant 0 : i32
        %dma_wait3A_472 = tpu.memref_slice %arg10[%dma_wait3A_469, %dma_wait3A_470, %dma_wait3A_471] : memref<4x16x1024xf32, #tpu.memory_space<vmem>> -> memref<1x16x1024xf32, #tpu.memory_space<vmem>>
        %dma_wait3A_473 = tpu.memref_squeeze %dma_wait3A_472 : memref<1x16x1024xf32, #tpu.memory_space<vmem>> -> memref<16x1024xf32, #tpu.memory_space<vmem>>
        %dma_wait3A_474 = arith.constant 0 : i32
        %dma_wait3A_475 = tpu.memref_slice %arg5[%add3A_468, %dma_wait3A_474] : memref<32768x1024xf32, #tpu.memory_space<hbm>> -> memref<16x1024xf32, #tpu.memory_space<hbm>>
        %dma_wait3A_476 = arith.constant 0 : i32
        %dma_wait3A_477 = tpu.memref_slice %arg5[%add3A_468, %dma_wait3A_476] : memref<32768x1024xf32, #tpu.memory_space<hbm>> -> memref<16x1024xf32, #tpu.memory_space<hbm>>
        %dma_wait3A_478 = arith.constant 0 : i32
        %dma_wait3A_479 = arith.constant 0 : i32
        %dma_wait3A_480 = tpu.memref_slice %arg10[%dma_wait3A_469, %dma_wait3A_478, %dma_wait3A_479] : memref<4x16x1024xf32, #tpu.memory_space<vmem>> -> memref<1x16x1024xf32, #tpu.memory_space<vmem>>
        %dma_wait3A_481 = tpu.memref_squeeze %dma_wait3A_480 : memref<1x16x1024xf32, #tpu.memory_space<vmem>> -> memref<16x1024xf32, #tpu.memory_space<vmem>>
        tpu.wait_dma2 semaphore(%arg17 : memref<!tpu.dma_semaphore, #tpu.memory_space<semaphore_mem>>) src(%dma_wait3A_481 : memref<16x1024xf32, #tpu.memory_space<vmem>>) dst(%dma_wait3A_477 : memref<16x1024xf32, #tpu.memory_space<hbm>>)
        %add3A_482 = arith.constant 4 : i32
        %add3A_483 = arith.addi %add3A_153, %add3A_482 : i32
        %mul3A_484 = arith.constant 16 : i32
        %mul3A_485 = arith.muli %add3A_483, %mul3A_484 : i32
        %dma_start3A_486 = arith.constant 0 : i32
        %dma_start3A_487 = arith.constant 0 : i32
        %dma_start3A_488 = arith.constant 0 : i32
        %dma_start3A_489 = tpu.memref_slice %arg10[%dma_start3A_486, %dma_start3A_487, %dma_start3A_488] : memref<4x16x1024xf32, #tpu.memory_space<vmem>> -> memref<1x16x1024xf32, #tpu.memory_space<vmem>>
        %dma_start3A_490 = tpu.memref_squeeze %dma_start3A_489 : memref<1x16x1024xf32, #tpu.memory_space<vmem>> -> memref<16x1024xf32, #tpu.memory_space<vmem>>
        %dma_start3A_491 = tpu.memref_slice %arg7[%mul3A_485] : memref<1024xi32, #tpu.memory_space<vmem>> -> memref<16xi32, #tpu.memory_space<vmem>>
        %dma_start3A_492 = arith.constant 0 : i32
        %dma_start3A_493 = arith.constant 0 : i32
        %dma_start3A_494 = tpu.memref_slice %arg3[%dma_start3A_492, %dma_start3A_493] : memref<50000x1024xf32, #tpu.memory_space<hbm>> -> memref<50000x1024xf32, #tpu.memory_space<hbm>>
        tpu.enqueue_indirect_dma source(%dma_start3A_494 : memref<50000x1024xf32, #tpu.memory_space<hbm>>) target(%dma_start3A_490 : memref<16x1024xf32, #tpu.memory_space<vmem>>) offsets(%dma_start3A_491 : memref<16xi32, #tpu.memory_space<vmem>>) semaphore(%arg13 : memref<!tpu.dma_semaphore, #tpu.memory_space<semaphore_mem>>)
      } else {
      }
      %mul3A_223 = arith.constant 4 : i32
      %mul3A_224 = arith.muli %scan3A_148, %mul3A_223 : i32
      %add3A_225 = arith.constant 1 : i32
      %add3A_226 = arith.addi %mul3A_224, %add3A_225 : i32
      %mul3A_227 = arith.constant 16 : i32
      %mul3A_228 = arith.muli %add3A_226, %mul3A_227 : i32
      %get3A_229 = arith.index_cast %mul3A_228 : i32 to index
      %get3A_230 = tpu.vector_load %arg6[%get3A_229] {strides = array<i32>} : memref<1024xi32, #tpu.memory_space<vmem>>, vector<16xi32>,
      %ge3A_231 = arith.constant 50000 : i32
      %ge3A_232 = vector.broadcast %ge3A_231 : i32 to vector<16xi32>
      %ge3A_233 = arith.cmpi sge, %get3A_230, %ge3A_232 : vector<16xi32>
      %jit3A_234 = arith.constant 1 : i32
      %jit3A_235 = arith.constant 0 : i32
      %broadcast_in_dim3A_236 = vector.broadcast %jit3A_234 : i32 to vector<16xi32>
      %broadcast_in_dim3A_237 = vector.broadcast %jit3A_235 : i32 to vector<16xi32>
      %select_n3A_238 = arith.select %ge3A_233, %broadcast_in_dim3A_236, %broadcast_in_dim3A_237 : vector<16xi1>, vector<16xi32>
      %broadcast_in_dim3A_239 = arith.constant true
      %broadcast_in_dim3A_240 = vector.broadcast %broadcast_in_dim3A_239 : i1 to vector<16xi1>
      %masked_cumsum3A_241 = tpu.scan <sum>, %select_n3A_238 masked %broadcast_in_dim3A_240 : vector<16xi32>, vector<16xi1> -> vector<16xi32>
      %add3A_242 = vector.broadcast %add3A_186 : i32 to vector<16xi32>
      %add3A_243 = arith.addi %add3A_242, %masked_cumsum3A_241 : vector<16xi32>
      %sub3A_244 = arith.constant 1 : i32
      %sub3A_245 = vector.broadcast %sub3A_244 : i32 to vector<16xi32>
      %sub3A_246 = arith.subi %add3A_243, %sub3A_245 : vector<16xi32>
      %mul3A_247 = arith.constant 16 : i32
      %mul3A_248 = arith.muli %add3A_226, %mul3A_247 : i32
      %add3A_249 = arith.addi %mul3A_2, %mul3A_248 : i32
      %iota3A_250 = tpu.iota {dimensions = array<i32: 0>} : vector<16xi32>
      %add3A_251 = vector.broadcast %add3A_249 : i32 to vector<16xi32>
      %add3A_252 = arith.addi %add3A_251, %iota3A_250 : vector<16xi32>
      %sub3A_253 = arith.constant 50000 : i32
      %sub3A_254 = vector.broadcast %sub3A_253 : i32 to vector<16xi32>
      %sub3A_255 = arith.subi %get3A_230, %sub3A_254 : vector<16xi32>
      %jit3A_256 = arith.constant 0 : i32
      %jit3A_257 = arith.constant 99 : i32
      %max3A_258 = vector.broadcast %jit3A_256 : i32 to vector<16xi32>
      %max3A_259 = arith.maxsi %max3A_258, %sub3A_255 : vector<16xi32>
      %min3A_260 = vector.broadcast %jit3A_257 : i32 to vector<16xi32>
      %min3A_261 = arith.minsi %min3A_260, %max3A_259 : vector<16xi32>
      tpu.vector_store_idx %arg8[%sub3A_246], %add3A_252 masked %ge3A_233 : memref<1040xi32, #tpu.memory_space<vmem>>[vector<16xi32>], vector<16xi32>, vector<16xi1>
      tpu.vector_store_idx %arg9[%sub3A_246], %min3A_261 masked %ge3A_233 : memref<1040xi32, #tpu.memory_space<vmem>>[vector<16xi32>], vector<16xi32>, vector<16xi1>
      %reduce_sum3A_262 = arith.constant true
      %reduce_sum3A_263 = vector.broadcast %reduce_sum3A_262 : i1 to vector<16xi1>
      %reduce_sum3A_264 = tpu.scan <sum>, %select_n3A_238 masked %reduce_sum3A_263 : vector<16xi32>, vector<16xi1> -> vector<16xi32>
      %reduce_sum3A_265 = vector.extract %reduce_sum3A_264[15] : i32 from vector<16xi32>
      %add3A_266 = arith.addi %add3A_186, %reduce_sum3A_265 : i32
      %lt3A_267 = arith.constant 15 : i32
      %lt3A_268 = arith.cmpi slt, %scan3A_148, %lt3A_267 : i32
      %convert_element_type3A_269 = arith.extui %lt3A_268 : i1 to i32
      %cond3A_270 = arith.constant 0 : i32
      %cond3A_271 = arith.cmpi ne, %convert_element_type3A_269, %cond3A_270 : i32
      scf.if %cond3A_271 {
        %add3A_466 = arith.constant 4 : i32
        %add3A_467 = arith.addi %add3A_226, %add3A_466 : i32
        %mul3A_468 = arith.constant 16 : i32
        %mul3A_469 = arith.muli %add3A_467, %mul3A_468 : i32
        %get3A_470 = arith.index_cast %mul3A_469 : i32 to index
        %get3A_471 = tpu.vector_load %arg6[%get3A_470] {strides = array<i32>} : memref<1024xi32, #tpu.memory_space<vmem>>, vector<16xi32>,
        %ge3A_472 = arith.constant 50000 : i32
        %ge3A_473 = vector.broadcast %ge3A_472 : i32 to vector<16xi32>
        %ge3A_474 = arith.cmpi sge, %get3A_471, %ge3A_473 : vector<16xi32>
        %sub3A_475 = arith.constant 50000 : i32
        %sub3A_476 = vector.broadcast %sub3A_475 : i32 to vector<16xi32>
        %sub3A_477 = arith.subi %get3A_471, %sub3A_476 : vector<16xi32>
        %select_n3A_478 = arith.select %ge3A_474, %sub3A_477, %get3A_471 : vector<16xi1>, vector<16xi32>
        %mul3A_479 = arith.constant 16 : i32
        %mul3A_480 = arith.muli %add3A_467, %mul3A_479 : i32
        %swap3A_481 = arith.index_cast %mul3A_480 : i32 to index
        %swap3A_482 = tpu.vector_load %arg7[%swap3A_481] {strides = array<i32>} : memref<1024xi32, #tpu.memory_space<vmem>>, vector<16xi32>,
        tpu.vector_store %arg7[%swap3A_481], %select_n3A_478 {strides = array<i32>} : memref<1024xi32, #tpu.memory_space<vmem>>, vector<16xi32>,
      } else {
      }
      %mul3A_272 = arith.constant 16 : i32
      %mul3A_273 = arith.muli %add3A_226, %mul3A_272 : i32
      %dma_wait3A_274 = arith.constant 1 : i32
      %dma_wait3A_275 = arith.constant 0 : i32
      %dma_wait3A_276 = arith.constant 0 : i32
      %dma_wait3A_277 = tpu.memref_slice %arg10[%dma_wait3A_274, %dma_wait3A_275, %dma_wait3A_276] : memref<4x16x1024xf32, #tpu.memory_space<vmem>> -> memref<1x16x1024xf32, #tpu.memory_space<vmem>>
      %dma_wait3A_278 = tpu.memref_squeeze %dma_wait3A_277 : memref<1x16x1024xf32, #tpu.memory_space<vmem>> -> memref<16x1024xf32, #tpu.memory_space<vmem>>
      %dma_wait3A_279 = tpu.memref_slice %arg7[%mul3A_273] : memref<1024xi32, #tpu.memory_space<vmem>> -> memref<16xi32, #tpu.memory_space<vmem>>
      %dma_wait3A_280 = arith.constant 0 : i32
      %dma_wait3A_281 = arith.constant 0 : i32
      %dma_wait3A_282 = tpu.memref_slice %arg3[%dma_wait3A_280, %dma_wait3A_281] : memref<50000x1024xf32, #tpu.memory_space<hbm>> -> memref<50000x1024xf32, #tpu.memory_space<hbm>>
      tpu.wait_indirect_dma semaphore(%arg14 : memref<!tpu.dma_semaphore, #tpu.memory_space<semaphore_mem>>) src(%dma_wait3A_282 : memref<50000x1024xf32, #tpu.memory_space<hbm>>) dst(%dma_wait3A_278 : memref<16x1024xf32, #tpu.memory_space<vmem>>)
      %mul3A_283 = arith.constant 16 : i32
      %mul3A_284 = arith.muli %add3A_226, %mul3A_283 : i32
      %add3A_285 = arith.addi %mul3A_2, %mul3A_284 : i32
      %dma_start3A_286 = arith.constant 1 : i32
      %dma_start3A_287 = arith.constant 0 : i32
      %dma_start3A_288 = arith.constant 0 : i32
      %dma_start3A_289 = tpu.memref_slice %arg10[%dma_start3A_286, %dma_start3A_287, %dma_start3A_288] : memref<4x16x1024xf32, #tpu.memory_space<vmem>> -> memref<1x16x1024xf32, #tpu.memory_space<vmem>>
      %dma_start3A_290 = tpu.memref_squeeze %dma_start3A_289 : memref<1x16x1024xf32, #tpu.memory_space<vmem>> -> memref<16x1024xf32, #tpu.memory_space<vmem>>
      %dma_start3A_291 = arith.constant 0 : i32
      %dma_start3A_292 = tpu.memref_slice %arg5[%add3A_285, %dma_start3A_291] : memref<32768x1024xf32, #tpu.memory_space<hbm>> -> memref<16x1024xf32, #tpu.memory_space<hbm>>
      %dma_start3A_293 = arith.constant 0 : i32
      %dma_start3A_294 = tpu.memref_slice %arg5[%add3A_285, %dma_start3A_293] : memref<32768x1024xf32, #tpu.memory_space<hbm>> -> memref<16x1024xf32, #tpu.memory_space<hbm>>
      %dma_start3A_295 = arith.constant 0 : i32
      %dma_start3A_296 = arith.constant 0 : i32
      %dma_start3A_297 = tpu.memref_slice %arg10[%dma_start3A_286, %dma_start3A_295, %dma_start3A_296] : memref<4x16x1024xf32, #tpu.memory_space<vmem>> -> memref<1x16x1024xf32, #tpu.memory_space<vmem>>
      %dma_start3A_298 = tpu.memref_squeeze %dma_start3A_297 : memref<1x16x1024xf32, #tpu.memory_space<vmem>> -> memref<16x1024xf32, #tpu.memory_space<vmem>>
      tpu.enqueue_dma source(%dma_start3A_298 : memref<16x1024xf32, #tpu.memory_space<vmem>>) target(%dma_start3A_294 : memref<16x1024xf32, #tpu.memory_space<hbm>>) target_semaphore(%arg18 : memref<!tpu.dma_semaphore, #tpu.memory_space<semaphore_mem>>)
      %lt3A_299 = arith.constant 15 : i32
      %lt3A_300 = arith.cmpi slt, %scan3A_148, %lt3A_299 : i32
      %convert_element_type3A_301 = arith.extui %lt3A_300 : i1 to i32
      %cond3A_302 = arith.constant 0 : i32
      %cond3A_303 = arith.cmpi ne, %convert_element_type3A_301, %cond3A_302 : i32
      scf.if %cond3A_303 {
        %mul3A_466 = arith.constant 16 : i32
        %mul3A_467 = arith.muli %add3A_226, %mul3A_466 : i32
        %add3A_468 = arith.addi %mul3A_2, %mul3A_467 : i32
        %dma_wait3A_469 = arith.constant 1 : i32
        %dma_wait3A_470 = arith.constant 0 : i32
        %dma_wait3A_471 = arith.constant 0 : i32
        %dma_wait3A_472 = tpu.memref_slice %arg10[%dma_wait3A_469, %dma_wait3A_470, %dma_wait3A_471] : memref<4x16x1024xf32, #tpu.memory_space<vmem>> -> memref<1x16x1024xf32, #tpu.memory_space<vmem>>
        %dma_wait3A_473 = tpu.memref_squeeze %dma_wait3A_472 : memref<1x16x1024xf32, #tpu.memory_space<vmem>> -> memref<16x1024xf32, #tpu.memory_space<vmem>>
        %dma_wait3A_474 = arith.constant 0 : i32
        %dma_wait3A_475 = tpu.memref_slice %arg5[%add3A_468, %dma_wait3A_474] : memref<32768x1024xf32, #tpu.memory_space<hbm>> -> memref<16x1024xf32, #tpu.memory_space<hbm>>
        %dma_wait3A_476 = arith.constant 0 : i32
        %dma_wait3A_477 = tpu.memref_slice %arg5[%add3A_468, %dma_wait3A_476] : memref<32768x1024xf32, #tpu.memory_space<hbm>> -> memref<16x1024xf32, #tpu.memory_space<hbm>>
        %dma_wait3A_478 = arith.constant 0 : i32
        %dma_wait3A_479 = arith.constant 0 : i32
        %dma_wait3A_480 = tpu.memref_slice %arg10[%dma_wait3A_469, %dma_wait3A_478, %dma_wait3A_479] : memref<4x16x1024xf32, #tpu.memory_space<vmem>> -> memref<1x16x1024xf32, #tpu.memory_space<vmem>>
        %dma_wait3A_481 = tpu.memref_squeeze %dma_wait3A_480 : memref<1x16x1024xf32, #tpu.memory_space<vmem>> -> memref<16x1024xf32, #tpu.memory_space<vmem>>
        tpu.wait_dma2 semaphore(%arg18 : memref<!tpu.dma_semaphore, #tpu.memory_space<semaphore_mem>>) src(%dma_wait3A_481 : memref<16x1024xf32, #tpu.memory_space<vmem>>) dst(%dma_wait3A_477 : memref<16x1024xf32, #tpu.memory_space<hbm>>)
        %add3A_482 = arith.constant 4 : i32
        %add3A_483 = arith.addi %add3A_226, %add3A_482 : i32
        %mul3A_484 = arith.constant 16 : i32
        %mul3A_485 = arith.muli %add3A_483, %mul3A_484 : i32
        %dma_start3A_486 = arith.constant 1 : i32
        %dma_start3A_487 = arith.constant 0 : i32
        %dma_start3A_488 = arith.constant 0 : i32
        %dma_start3A_489 = tpu.memref_slice %arg10[%dma_start3A_486, %dma_start3A_487, %dma_start3A_488] : memref<4x16x1024xf32, #tpu.memory_space<vmem>> -> memref<1x16x1024xf32, #tpu.memory_space<vmem>>
        %dma_start3A_490 = tpu.memref_squeeze %dma_start3A_489 : memref<1x16x1024xf32, #tpu.memory_space<vmem>> -> memref<16x1024xf32, #tpu.memory_space<vmem>>
        %dma_start3A_491 = tpu.memref_slice %arg7[%mul3A_485] : memref<1024xi32, #tpu.memory_space<vmem>> -> memref<16xi32, #tpu.memory_space<vmem>>
        %dma_start3A_492 = arith.constant 0 : i32
        %dma_start3A_493 = arith.constant 0 : i32
        %dma_start3A_494 = tpu.memref_slice %arg3[%dma_start3A_492, %dma_start3A_493] : memref<50000x1024xf32, #tpu.memory_space<hbm>> -> memref<50000x1024xf32, #tpu.memory_space<hbm>>
        tpu.enqueue_indirect_dma source(%dma_start3A_494 : memref<50000x1024xf32, #tpu.memory_space<hbm>>) target(%dma_start3A_490 : memref<16x1024xf32, #tpu.memory_space<vmem>>) offsets(%dma_start3A_491 : memref<16xi32, #tpu.memory_space<vmem>>) semaphore(%arg14 : memref<!tpu.dma_semaphore, #tpu.memory_space<semaphore_mem>>)
      } else {
      }
      %mul3A_304 = arith.constant 4 : i32
      %mul3A_305 = arith.muli %scan3A_148, %mul3A_304 : i32
      %add3A_306 = arith.constant 2 : i32
      %add3A_307 = arith.addi %mul3A_305, %add3A_306 : i32
      %mul3A_308 = arith.constant 16 : i32
      %mul3A_309 = arith.muli %add3A_307, %mul3A_308 : i32
      %get3A_310 = arith.index_cast %mul3A_309 : i32 to index
      %get3A_311 = tpu.vector_load %arg6[%get3A_310] {strides = array<i32>} : memref<1024xi32, #tpu.memory_space<vmem>>, vector<16xi32>,
      %ge3A_312 = arith.constant 50000 : i32
      %ge3A_313 = vector.broadcast %ge3A_312 : i32 to vector<16xi32>
      %ge3A_314 = arith.cmpi sge, %get3A_311, %ge3A_313 : vector<16xi32>
      %jit3A_315 = arith.constant 1 : i32
      %jit3A_316 = arith.constant 0 : i32
      %broadcast_in_dim3A_317 = vector.broadcast %jit3A_315 : i32 to vector<16xi32>
      %broadcast_in_dim3A_318 = vector.broadcast %jit3A_316 : i32 to vector<16xi32>
      %select_n3A_319 = arith.select %ge3A_314, %broadcast_in_dim3A_317, %broadcast_in_dim3A_318 : vector<16xi1>, vector<16xi32>
      %broadcast_in_dim3A_320 = arith.constant true
      %broadcast_in_dim3A_321 = vector.broadcast %broadcast_in_dim3A_320 : i1 to vector<16xi1>
      %masked_cumsum3A_322 = tpu.scan <sum>, %select_n3A_319 masked %broadcast_in_dim3A_321 : vector<16xi32>, vector<16xi1> -> vector<16xi32>
      %add3A_323 = vector.broadcast %add3A_266 : i32 to vector<16xi32>
      %add3A_324 = arith.addi %add3A_323, %masked_cumsum3A_322 : vector<16xi32>
      %sub3A_325 = arith.constant 1 : i32
      %sub3A_326 = vector.broadcast %sub3A_325 : i32 to vector<16xi32>
      %sub3A_327 = arith.subi %add3A_324, %sub3A_326 : vector<16xi32>
      %mul3A_328 = arith.constant 16 : i32
      %mul3A_329 = arith.muli %add3A_307, %mul3A_328 : i32
      %add3A_330 = arith.addi %mul3A_2, %mul3A_329 : i32
      %iota3A_331 = tpu.iota {dimensions = array<i32: 0>} : vector<16xi32>
      %add3A_332 = vector.broadcast %add3A_330 : i32 to vector<16xi32>
      %add3A_333 = arith.addi %add3A_332, %iota3A_331 : vector<16xi32>
      %sub3A_334 = arith.constant 50000 : i32
      %sub3A_335 = vector.broadcast %sub3A_334 : i32 to vector<16xi32>
      %sub3A_336 = arith.subi %get3A_311, %sub3A_335 : vector<16xi32>
      %jit3A_337 = arith.constant 0 : i32
      %jit3A_338 = arith.constant 99 : i32
      %max3A_339 = vector.broadcast %jit3A_337 : i32 to vector<16xi32>
      %max3A_340 = arith.maxsi %max3A_339, %sub3A_336 : vector<16xi32>
      %min3A_341 = vector.broadcast %jit3A_338 : i32 to vector<16xi32>
      %min3A_342 = arith.minsi %min3A_341, %max3A_340 : vector<16xi32>
      tpu.vector_store_idx %arg8[%sub3A_327], %add3A_333 masked %ge3A_314 : memref<1040xi32, #tpu.memory_space<vmem>>[vector<16xi32>], vector<16xi32>, vector<16xi1>
      tpu.vector_store_idx %arg9[%sub3A_327], %min3A_342 masked %ge3A_314 : memref<1040xi32, #tpu.memory_space<vmem>>[vector<16xi32>], vector<16xi32>, vector<16xi1>
      %reduce_sum3A_343 = arith.constant true
      %reduce_sum3A_344 = vector.broadcast %reduce_sum3A_343 : i1 to vector<16xi1>
      %reduce_sum3A_345 = tpu.scan <sum>, %select_n3A_319 masked %reduce_sum3A_344 : vector<16xi32>, vector<16xi1> -> vector<16xi32>
      %reduce_sum3A_346 = vector.extract %reduce_sum3A_345[15] : i32 from vector<16xi32>
      %add3A_347 = arith.addi %add3A_266, %reduce_sum3A_346 : i32
      %lt3A_348 = arith.constant 15 : i32
      %lt3A_349 = arith.cmpi slt, %scan3A_148, %lt3A_348 : i32
      %convert_element_type3A_350 = arith.extui %lt3A_349 : i1 to i32
      %cond3A_351 = arith.constant 0 : i32
      %cond3A_352 = arith.cmpi ne, %convert_element_type3A_350, %cond3A_351 : i32
      scf.if %cond3A_352 {
        %add3A_466 = arith.constant 4 : i32
        %add3A_467 = arith.addi %add3A_307, %add3A_466 : i32
        %mul3A_468 = arith.constant 16 : i32
        %mul3A_469 = arith.muli %add3A_467, %mul3A_468 : i32
        %get3A_470 = arith.index_cast %mul3A_469 : i32 to index
        %get3A_471 = tpu.vector_load %arg6[%get3A_470] {strides = array<i32>} : memref<1024xi32, #tpu.memory_space<vmem>>, vector<16xi32>,
        %ge3A_472 = arith.constant 50000 : i32
        %ge3A_473 = vector.broadcast %ge3A_472 : i32 to vector<16xi32>
        %ge3A_474 = arith.cmpi sge, %get3A_471, %ge3A_473 : vector<16xi32>
        %sub3A_475 = arith.constant 50000 : i32
        %sub3A_476 = vector.broadcast %sub3A_475 : i32 to vector<16xi32>
        %sub3A_477 = arith.subi %get3A_471, %sub3A_476 : vector<16xi32>
        %select_n3A_478 = arith.select %ge3A_474, %sub3A_477, %get3A_471 : vector<16xi1>, vector<16xi32>
        %mul3A_479 = arith.constant 16 : i32
        %mul3A_480 = arith.muli %add3A_467, %mul3A_479 : i32
        %swap3A_481 = arith.index_cast %mul3A_480 : i32 to index
        %swap3A_482 = tpu.vector_load %arg7[%swap3A_481] {strides = array<i32>} : memref<1024xi32, #tpu.memory_space<vmem>>, vector<16xi32>,
        tpu.vector_store %arg7[%swap3A_481], %select_n3A_478 {strides = array<i32>} : memref<1024xi32, #tpu.memory_space<vmem>>, vector<16xi32>,
      } else {
      }
      %mul3A_353 = arith.constant 16 : i32
      %mul3A_354 = arith.muli %add3A_307, %mul3A_353 : i32
      %dma_wait3A_355 = arith.constant 2 : i32
      %dma_wait3A_356 = arith.constant 0 : i32
      %dma_wait3A_357 = arith.constant 0 : i32
      %dma_wait3A_358 = tpu.memref_slice %arg10[%dma_wait3A_355, %dma_wait3A_356, %dma_wait3A_357] : memref<4x16x1024xf32, #tpu.memory_space<vmem>> -> memref<1x16x1024xf32, #tpu.memory_space<vmem>>
      %dma_wait3A_359 = tpu.memref_squeeze %dma_wait3A_358 : memref<1x16x1024xf32, #tpu.memory_space<vmem>> -> memref<16x1024xf32, #tpu.memory_space<vmem>>
      %dma_wait3A_360 = tpu.memref_slice %arg7[%mul3A_354] : memref<1024xi32, #tpu.memory_space<vmem>> -> memref<16xi32, #tpu.memory_space<vmem>>
      %dma_wait3A_361 = arith.constant 0 : i32
      %dma_wait3A_362 = arith.constant 0 : i32
      %dma_wait3A_363 = tpu.memref_slice %arg3[%dma_wait3A_361, %dma_wait3A_362] : memref<50000x1024xf32, #tpu.memory_space<hbm>> -> memref<50000x1024xf32, #tpu.memory_space<hbm>>
      tpu.wait_indirect_dma semaphore(%arg15 : memref<!tpu.dma_semaphore, #tpu.memory_space<semaphore_mem>>) src(%dma_wait3A_363 : memref<50000x1024xf32, #tpu.memory_space<hbm>>) dst(%dma_wait3A_359 : memref<16x1024xf32, #tpu.memory_space<vmem>>)
      %mul3A_364 = arith.constant 16 : i32
      %mul3A_365 = arith.muli %add3A_307, %mul3A_364 : i32
      %add3A_366 = arith.addi %mul3A_2, %mul3A_365 : i32
      %dma_start3A_367 = arith.constant 2 : i32
      %dma_start3A_368 = arith.constant 0 : i32
      %dma_start3A_369 = arith.constant 0 : i32
      %dma_start3A_370 = tpu.memref_slice %arg10[%dma_start3A_367, %dma_start3A_368, %dma_start3A_369] : memref<4x16x1024xf32, #tpu.memory_space<vmem>> -> memref<1x16x1024xf32, #tpu.memory_space<vmem>>
      %dma_start3A_371 = tpu.memref_squeeze %dma_start3A_370 : memref<1x16x1024xf32, #tpu.memory_space<vmem>> -> memref<16x1024xf32, #tpu.memory_space<vmem>>
      %dma_start3A_372 = arith.constant 0 : i32
      %dma_start3A_373 = tpu.memref_slice %arg5[%add3A_366, %dma_start3A_372] : memref<32768x1024xf32, #tpu.memory_space<hbm>> -> memref<16x1024xf32, #tpu.memory_space<hbm>>
      %dma_start3A_374 = arith.constant 0 : i32
      %dma_start3A_375 = tpu.memref_slice %arg5[%add3A_366, %dma_start3A_374] : memref<32768x1024xf32, #tpu.memory_space<hbm>> -> memref<16x1024xf32, #tpu.memory_space<hbm>>
      %dma_start3A_376 = arith.constant 0 : i32
      %dma_start3A_377 = arith.constant 0 : i32
      %dma_start3A_378 = tpu.memref_slice %arg10[%dma_start3A_367, %dma_start3A_376, %dma_start3A_377] : memref<4x16x1024xf32, #tpu.memory_space<vmem>> -> memref<1x16x1024xf32, #tpu.memory_space<vmem>>
      %dma_start3A_379 = tpu.memref_squeeze %dma_start3A_378 : memref<1x16x1024xf32, #tpu.memory_space<vmem>> -> memref<16x1024xf32, #tpu.memory_space<vmem>>
      tpu.enqueue_dma source(%dma_start3A_379 : memref<16x1024xf32, #tpu.memory_space<vmem>>) target(%dma_start3A_375 : memref<16x1024xf32, #tpu.memory_space<hbm>>) target_semaphore(%arg19 : memref<!tpu.dma_semaphore, #tpu.memory_space<semaphore_mem>>)
      %lt3A_380 = arith.constant 15 : i32
      %lt3A_381 = arith.cmpi slt, %scan3A_148, %lt3A_380 : i32
      %convert_element_type3A_382 = arith.extui %lt3A_381 : i1 to i32
      %cond3A_383 = arith.constant 0 : i32
      %cond3A_384 = arith.cmpi ne, %convert_element_type3A_382, %cond3A_383 : i32
      scf.if %cond3A_384 {
        %mul3A_466 = arith.constant 16 : i32
        %mul3A_467 = arith.muli %add3A_307, %mul3A_466 : i32
        %add3A_468 = arith.addi %mul3A_2, %mul3A_467 : i32
        %dma_wait3A_469 = arith.constant 2 : i32
        %dma_wait3A_470 = arith.constant 0 : i32
        %dma_wait3A_471 = arith.constant 0 : i32
        %dma_wait3A_472 = tpu.memref_slice %arg10[%dma_wait3A_469, %dma_wait3A_470, %dma_wait3A_471] : memref<4x16x1024xf32, #tpu.memory_space<vmem>> -> memref<1x16x1024xf32, #tpu.memory_space<vmem>>
        %dma_wait3A_473 = tpu.memref_squeeze %dma_wait3A_472 : memref<1x16x1024xf32, #tpu.memory_space<vmem>> -> memref<16x1024xf32, #tpu.memory_space<vmem>>
        %dma_wait3A_474 = arith.constant 0 : i32
        %dma_wait3A_475 = tpu.memref_slice %arg5[%add3A_468, %dma_wait3A_474] : memref<32768x1024xf32, #tpu.memory_space<hbm>> -> memref<16x1024xf32, #tpu.memory_space<hbm>>
        %dma_wait3A_476 = arith.constant 0 : i32
        %dma_wait3A_477 = tpu.memref_slice %arg5[%add3A_468, %dma_wait3A_476] : memref<32768x1024xf32, #tpu.memory_space<hbm>> -> memref<16x1024xf32, #tpu.memory_space<hbm>>
        %dma_wait3A_478 = arith.constant 0 : i32
        %dma_wait3A_479 = arith.constant 0 : i32
        %dma_wait3A_480 = tpu.memref_slice %arg10[%dma_wait3A_469, %dma_wait3A_478, %dma_wait3A_479] : memref<4x16x1024xf32, #tpu.memory_space<vmem>> -> memref<1x16x1024xf32, #tpu.memory_space<vmem>>
        %dma_wait3A_481 = tpu.memref_squeeze %dma_wait3A_480 : memref<1x16x1024xf32, #tpu.memory_space<vmem>> -> memref<16x1024xf32, #tpu.memory_space<vmem>>
        tpu.wait_dma2 semaphore(%arg19 : memref<!tpu.dma_semaphore, #tpu.memory_space<semaphore_mem>>) src(%dma_wait3A_481 : memref<16x1024xf32, #tpu.memory_space<vmem>>) dst(%dma_wait3A_477 : memref<16x1024xf32, #tpu.memory_space<hbm>>)
        %add3A_482 = arith.constant 4 : i32
        %add3A_483 = arith.addi %add3A_307, %add3A_482 : i32
        %mul3A_484 = arith.constant 16 : i32
        %mul3A_485 = arith.muli %add3A_483, %mul3A_484 : i32
        %dma_start3A_486 = arith.constant 2 : i32
        %dma_start3A_487 = arith.constant 0 : i32
        %dma_start3A_488 = arith.constant 0 : i32
        %dma_start3A_489 = tpu.memref_slice %arg10[%dma_start3A_486, %dma_start3A_487, %dma_start3A_488] : memref<4x16x1024xf32, #tpu.memory_space<vmem>> -> memref<1x16x1024xf32, #tpu.memory_space<vmem>>
        %dma_start3A_490 = tpu.memref_squeeze %dma_start3A_489 : memref<1x16x1024xf32, #tpu.memory_space<vmem>> -> memref<16x1024xf32, #tpu.memory_space<vmem>>
        %dma_start3A_491 = tpu.memref_slice %arg7[%mul3A_485] : memref<1024xi32, #tpu.memory_space<vmem>> -> memref<16xi32, #tpu.memory_space<vmem>>
        %dma_start3A_492 = arith.constant 0 : i32
        %dma_start3A_493 = arith.constant 0 : i32
        %dma_start3A_494 = tpu.memref_slice %arg3[%dma_start3A_492, %dma_start3A_493] : memref<50000x1024xf32, #tpu.memory_space<hbm>> -> memref<50000x1024xf32, #tpu.memory_space<hbm>>
        tpu.enqueue_indirect_dma source(%dma_start3A_494 : memref<50000x1024xf32, #tpu.memory_space<hbm>>) target(%dma_start3A_490 : memref<16x1024xf32, #tpu.memory_space<vmem>>) offsets(%dma_start3A_491 : memref<16xi32, #tpu.memory_space<vmem>>) semaphore(%arg15 : memref<!tpu.dma_semaphore, #tpu.memory_space<semaphore_mem>>)
      } else {
      }
      %mul3A_385 = arith.constant 4 : i32
      %mul3A_386 = arith.muli %scan3A_148, %mul3A_385 : i32
      %add3A_387 = arith.constant 3 : i32
      %add3A_388 = arith.addi %mul3A_386, %add3A_387 : i32
      %mul3A_389 = arith.constant 16 : i32
      %mul3A_390 = arith.muli %add3A_388, %mul3A_389 : i32
      %get3A_391 = arith.index_cast %mul3A_390 : i32 to index
      %get3A_392 = tpu.vector_load %arg6[%get3A_391] {strides = array<i32>} : memref<1024xi32, #tpu.memory_space<vmem>>, vector<16xi32>,
      %ge3A_393 = arith.constant 50000 : i32
      %ge3A_394 = vector.broadcast %ge3A_393 : i32 to vector<16xi32>
      %ge3A_395 = arith.cmpi sge, %get3A_392, %ge3A_394 : vector<16xi32>
      %jit3A_396 = arith.constant 1 : i32
      %jit3A_397 = arith.constant 0 : i32
      %broadcast_in_dim3A_398 = vector.broadcast %jit3A_396 : i32 to vector<16xi32>
      %broadcast_in_dim3A_399 = vector.broadcast %jit3A_397 : i32 to vector<16xi32>
      %select_n3A_400 = arith.select %ge3A_395, %broadcast_in_dim3A_398, %broadcast_in_dim3A_399 : vector<16xi1>, vector<16xi32>
      %broadcast_in_dim3A_401 = arith.constant true
      %broadcast_in_dim3A_402 = vector.broadcast %broadcast_in_dim3A_401 : i1 to vector<16xi1>
      %masked_cumsum3A_403 = tpu.scan <sum>, %select_n3A_400 masked %broadcast_in_dim3A_402 : vector<16xi32>, vector<16xi1> -> vector<16xi32>
      %add3A_404 = vector.broadcast %add3A_347 : i32 to vector<16xi32>
      %add3A_405 = arith.addi %add3A_404, %masked_cumsum3A_403 : vector<16xi32>
      %sub3A_406 = arith.constant 1 : i32
      %sub3A_407 = vector.broadcast %sub3A_406 : i32 to vector<16xi32>
      %sub3A_408 = arith.subi %add3A_405, %sub3A_407 : vector<16xi32>
      %mul3A_409 = arith.constant 16 : i32
      %mul3A_410 = arith.muli %add3A_388, %mul3A_409 : i32
      %add3A_411 = arith.addi %mul3A_2, %mul3A_410 : i32
      %iota3A_412 = tpu.iota {dimensions = array<i32: 0>} : vector<16xi32>
      %add3A_413 = vector.broadcast %add3A_411 : i32 to vector<16xi32>
      %add3A_414 = arith.addi %add3A_413, %iota3A_412 : vector<16xi32>
      %sub3A_415 = arith.constant 50000 : i32
      %sub3A_416 = vector.broadcast %sub3A_415 : i32 to vector<16xi32>
      %sub3A_417 = arith.subi %get3A_392, %sub3A_416 : vector<16xi32>
      %jit3A_418 = arith.constant 0 : i32
      %jit3A_419 = arith.constant 99 : i32
      %max3A_420 = vector.broadcast %jit3A_418 : i32 to vector<16xi32>
      %max3A_421 = arith.maxsi %max3A_420, %sub3A_417 : vector<16xi32>
      %min3A_422 = vector.broadcast %jit3A_419 : i32 to vector<16xi32>
      %min3A_423 = arith.minsi %min3A_422, %max3A_421 : vector<16xi32>
      tpu.vector_store_idx %arg8[%sub3A_408], %add3A_414 masked %ge3A_395 : memref<1040xi32, #tpu.memory_space<vmem>>[vector<16xi32>], vector<16xi32>, vector<16xi1>
      tpu.vector_store_idx %arg9[%sub3A_408], %min3A_423 masked %ge3A_395 : memref<1040xi32, #tpu.memory_space<vmem>>[vector<16xi32>], vector<16xi32>, vector<16xi1>
      %reduce_sum3A_424 = arith.constant true
      %reduce_sum3A_425 = vector.broadcast %reduce_sum3A_424 : i1 to vector<16xi1>
      %reduce_sum3A_426 = tpu.scan <sum>, %select_n3A_400 masked %reduce_sum3A_425 : vector<16xi32>, vector<16xi1> -> vector<16xi32>
      %reduce_sum3A_427 = vector.extract %reduce_sum3A_426[15] : i32 from vector<16xi32>
      %add3A_428 = arith.addi %add3A_347, %reduce_sum3A_427 : i32
      %lt3A_429 = arith.constant 15 : i32
      %lt3A_430 = arith.cmpi slt, %scan3A_148, %lt3A_429 : i32
      %convert_element_type3A_431 = arith.extui %lt3A_430 : i1 to i32
      %cond3A_432 = arith.constant 0 : i32
      %cond3A_433 = arith.cmpi ne, %convert_element_type3A_431, %cond3A_432 : i32
      scf.if %cond3A_433 {
        %add3A_466 = arith.constant 4 : i32
        %add3A_467 = arith.addi %add3A_388, %add3A_466 : i32
        %mul3A_468 = arith.constant 16 : i32
        %mul3A_469 = arith.muli %add3A_467, %mul3A_468 : i32
        %get3A_470 = arith.index_cast %mul3A_469 : i32 to index
        %get3A_471 = tpu.vector_load %arg6[%get3A_470] {strides = array<i32>} : memref<1024xi32, #tpu.memory_space<vmem>>, vector<16xi32>,
        %ge3A_472 = arith.constant 50000 : i32
        %ge3A_473 = vector.broadcast %ge3A_472 : i32 to vector<16xi32>
        %ge3A_474 = arith.cmpi sge, %get3A_471, %ge3A_473 : vector<16xi32>
        %sub3A_475 = arith.constant 50000 : i32
        %sub3A_476 = vector.broadcast %sub3A_475 : i32 to vector<16xi32>
        %sub3A_477 = arith.subi %get3A_471, %sub3A_476 : vector<16xi32>
        %select_n3A_478 = arith.select %ge3A_474, %sub3A_477, %get3A_471 : vector<16xi1>, vector<16xi32>
        %mul3A_479 = arith.constant 16 : i32
        %mul3A_480 = arith.muli %add3A_467, %mul3A_479 : i32
        %swap3A_481 = arith.index_cast %mul3A_480 : i32 to index
        %swap3A_482 = tpu.vector_load %arg7[%swap3A_481] {strides = array<i32>} : memref<1024xi32, #tpu.memory_space<vmem>>, vector<16xi32>,
        tpu.vector_store %arg7[%swap3A_481], %select_n3A_478 {strides = array<i32>} : memref<1024xi32, #tpu.memory_space<vmem>>, vector<16xi32>,
      } else {
      }
      %mul3A_434 = arith.constant 16 : i32
      %mul3A_435 = arith.muli %add3A_388, %mul3A_434 : i32
      %dma_wait3A_436 = arith.constant 3 : i32
      %dma_wait3A_437 = arith.constant 0 : i32
      %dma_wait3A_438 = arith.constant 0 : i32
      %dma_wait3A_439 = tpu.memref_slice %arg10[%dma_wait3A_436, %dma_wait3A_437, %dma_wait3A_438] : memref<4x16x1024xf32, #tpu.memory_space<vmem>> -> memref<1x16x1024xf32, #tpu.memory_space<vmem>>
      %dma_wait3A_440 = tpu.memref_squeeze %dma_wait3A_439 : memref<1x16x1024xf32, #tpu.memory_space<vmem>> -> memref<16x1024xf32, #tpu.memory_space<vmem>>
      %dma_wait3A_441 = tpu.memref_slice %arg7[%mul3A_435] : memref<1024xi32, #tpu.memory_space<vmem>> -> memref<16xi32, #tpu.memory_space<vmem>>
      %dma_wait3A_442 = arith.constant 0 : i32
      %dma_wait3A_443 = arith.constant 0 : i32
      %dma_wait3A_444 = tpu.memref_slice %arg3[%dma_wait3A_442, %dma_wait3A_443] : memref<50000x1024xf32, #tpu.memory_space<hbm>> -> memref<50000x1024xf32, #tpu.memory_space<hbm>>
      tpu.wait_indirect_dma semaphore(%arg16 : memref<!tpu.dma_semaphore, #tpu.memory_space<semaphore_mem>>) src(%dma_wait3A_444 : memref<50000x1024xf32, #tpu.memory_space<hbm>>) dst(%dma_wait3A_440 : memref<16x1024xf32, #tpu.memory_space<vmem>>)
      %mul3A_445 = arith.constant 16 : i32
      %mul3A_446 = arith.muli %add3A_388, %mul3A_445 : i32
      %add3A_447 = arith.addi %mul3A_2, %mul3A_446 : i32
      %dma_start3A_448 = arith.constant 3 : i32
      %dma_start3A_449 = arith.constant 0 : i32
      %dma_start3A_450 = arith.constant 0 : i32
      %dma_start3A_451 = tpu.memref_slice %arg10[%dma_start3A_448, %dma_start3A_449, %dma_start3A_450] : memref<4x16x1024xf32, #tpu.memory_space<vmem>> -> memref<1x16x1024xf32, #tpu.memory_space<vmem>>
      %dma_start3A_452 = tpu.memref_squeeze %dma_start3A_451 : memref<1x16x1024xf32, #tpu.memory_space<vmem>> -> memref<16x1024xf32, #tpu.memory_space<vmem>>
      %dma_start3A_453 = arith.constant 0 : i32
      %dma_start3A_454 = tpu.memref_slice %arg5[%add3A_447, %dma_start3A_453] : memref<32768x1024xf32, #tpu.memory_space<hbm>> -> memref<16x1024xf32, #tpu.memory_space<hbm>>
      %dma_start3A_455 = arith.constant 0 : i32
      %dma_start3A_456 = tpu.memref_slice %arg5[%add3A_447, %dma_start3A_455] : memref<32768x1024xf32, #tpu.memory_space<hbm>> -> memref<16x1024xf32, #tpu.memory_space<hbm>>
      %dma_start3A_457 = arith.constant 0 : i32
      %dma_start3A_458 = arith.constant 0 : i32
      %dma_start3A_459 = tpu.memref_slice %arg10[%dma_start3A_448, %dma_start3A_457, %dma_start3A_458] : memref<4x16x1024xf32, #tpu.memory_space<vmem>> -> memref<1x16x1024xf32, #tpu.memory_space<vmem>>
      %dma_start3A_460 = tpu.memref_squeeze %dma_start3A_459 : memref<1x16x1024xf32, #tpu.memory_space<vmem>> -> memref<16x1024xf32, #tpu.memory_space<vmem>>
      tpu.enqueue_dma source(%dma_start3A_460 : memref<16x1024xf32, #tpu.memory_space<vmem>>) target(%dma_start3A_456 : memref<16x1024xf32, #tpu.memory_space<hbm>>) target_semaphore(%arg20 : memref<!tpu.dma_semaphore, #tpu.memory_space<semaphore_mem>>)
      %lt3A_461 = arith.constant 15 : i32
      %lt3A_462 = arith.cmpi slt, %scan3A_148, %lt3A_461 : i32
      %convert_element_type3A_463 = arith.extui %lt3A_462 : i1 to i32
      %cond3A_464 = arith.constant 0 : i32
      %cond3A_465 = arith.cmpi ne, %convert_element_type3A_463, %cond3A_464 : i32
      scf.if %cond3A_465 {
        %mul3A_466 = arith.constant 16 : i32
        %mul3A_467 = arith.muli %add3A_388, %mul3A_466 : i32
        %add3A_468 = arith.addi %mul3A_2, %mul3A_467 : i32
        %dma_wait3A_469 = arith.constant 3 : i32
        %dma_wait3A_470 = arith.constant 0 : i32
        %dma_wait3A_471 = arith.constant 0 : i32
        %dma_wait3A_472 = tpu.memref_slice %arg10[%dma_wait3A_469, %dma_wait3A_470, %dma_wait3A_471] : memref<4x16x1024xf32, #tpu.memory_space<vmem>> -> memref<1x16x1024xf32, #tpu.memory_space<vmem>>
        %dma_wait3A_473 = tpu.memref_squeeze %dma_wait3A_472 : memref<1x16x1024xf32, #tpu.memory_space<vmem>> -> memref<16x1024xf32, #tpu.memory_space<vmem>>
        %dma_wait3A_474 = arith.constant 0 : i32
        %dma_wait3A_475 = tpu.memref_slice %arg5[%add3A_468, %dma_wait3A_474] : memref<32768x1024xf32, #tpu.memory_space<hbm>> -> memref<16x1024xf32, #tpu.memory_space<hbm>>
        %dma_wait3A_476 = arith.constant 0 : i32
        %dma_wait3A_477 = tpu.memref_slice %arg5[%add3A_468, %dma_wait3A_476] : memref<32768x1024xf32, #tpu.memory_space<hbm>> -> memref<16x1024xf32, #tpu.memory_space<hbm>>
        %dma_wait3A_478 = arith.constant 0 : i32
        %dma_wait3A_479 = arith.constant 0 : i32
        %dma_wait3A_480 = tpu.memref_slice %arg10[%dma_wait3A_469, %dma_wait3A_478, %dma_wait3A_479] : memref<4x16x1024xf32, #tpu.memory_space<vmem>> -> memref<1x16x1024xf32, #tpu.memory_space<vmem>>
        %dma_wait3A_481 = tpu.memref_squeeze %dma_wait3A_480 : memref<1x16x1024xf32, #tpu.memory_space<vmem>> -> memref<16x1024xf32, #tpu.memory_space<vmem>>
        tpu.wait_dma2 semaphore(%arg20 : memref<!tpu.dma_semaphore, #tpu.memory_space<semaphore_mem>>) src(%dma_wait3A_481 : memref<16x1024xf32, #tpu.memory_space<vmem>>) dst(%dma_wait3A_477 : memref<16x1024xf32, #tpu.memory_space<hbm>>)
        %add3A_482 = arith.constant 4 : i32
        %add3A_483 = arith.addi %add3A_388, %add3A_482 : i32
        %mul3A_484 = arith.constant 16 : i32
        %mul3A_485 = arith.muli %add3A_483, %mul3A_484 : i32
        %dma_start3A_486 = arith.constant 3 : i32
        %dma_start3A_487 = arith.constant 0 : i32
        %dma_start3A_488 = arith.constant 0 : i32
        %dma_start3A_489 = tpu.memref_slice %arg10[%dma_start3A_486, %dma_start3A_487, %dma_start3A_488] : memref<4x16x1024xf32, #tpu.memory_space<vmem>> -> memref<1x16x1024xf32, #tpu.memory_space<vmem>>
        %dma_start3A_490 = tpu.memref_squeeze %dma_start3A_489 : memref<1x16x1024xf32, #tpu.memory_space<vmem>> -> memref<16x1024xf32, #tpu.memory_space<vmem>>
        %dma_start3A_491 = tpu.memref_slice %arg7[%mul3A_485] : memref<1024xi32, #tpu.memory_space<vmem>> -> memref<16xi32, #tpu.memory_space<vmem>>
        %dma_start3A_492 = arith.constant 0 : i32
        %dma_start3A_493 = arith.constant 0 : i32
        %dma_start3A_494 = tpu.memref_slice %arg3[%dma_start3A_492, %dma_start3A_493] : memref<50000x1024xf32, #tpu.memory_space<hbm>> -> memref<50000x1024xf32, #tpu.memory_space<hbm>>
        tpu.enqueue_indirect_dma source(%dma_start3A_494 : memref<50000x1024xf32, #tpu.memory_space<hbm>>) target(%dma_start3A_490 : memref<16x1024xf32, #tpu.memory_space<vmem>>) offsets(%dma_start3A_491 : memref<16xi32, #tpu.memory_space<vmem>>) semaphore(%arg16 : memref<!tpu.dma_semaphore, #tpu.memory_space<semaphore_mem>>)
      } else {
      }
      scf.yield %add3A_428 : i32
    }
    %scan3A_86 = arith.constant 16 : i32
    %add3A_87 = arith.constant 960 : i32
    %add3A_88 = arith.addi %mul3A_2, %add3A_87 : i32
    %dma_wait3A = arith.constant 0 : i32
    %dma_wait3A_89 = arith.constant 0 : i32
    %dma_wait3A_90 = arith.constant 0 : i32
    %dma_wait3A_91 = tpu.memref_slice %arg10[%dma_wait3A, %dma_wait3A_89, %dma_wait3A_90] : memref<4x16x1024xf32, #tpu.memory_space<vmem>> -> memref<1x16x1024xf32, #tpu.memory_space<vmem>>
    %dma_wait3A_92 = tpu.memref_squeeze %dma_wait3A_91 : memref<1x16x1024xf32, #tpu.memory_space<vmem>> -> memref<16x1024xf32, #tpu.memory_space<vmem>>
    %dma_wait3A_93 = arith.constant 0 : i32
    %dma_wait3A_94 = tpu.memref_slice %arg5[%add3A_88, %dma_wait3A_93] : memref<32768x1024xf32, #tpu.memory_space<hbm>> -> memref<16x1024xf32, #tpu.memory_space<hbm>>
    %dma_wait3A_95 = arith.constant 0 : i32
    %dma_wait3A_96 = tpu.memref_slice %arg5[%add3A_88, %dma_wait3A_95] : memref<32768x1024xf32, #tpu.memory_space<hbm>> -> memref<16x1024xf32, #tpu.memory_space<hbm>>
    %dma_wait3A_97 = arith.constant 0 : i32
    %dma_wait3A_98 = arith.constant 0 : i32
    %dma_wait3A_99 = tpu.memref_slice %arg10[%dma_wait3A, %dma_wait3A_97, %dma_wait3A_98] : memref<4x16x1024xf32, #tpu.memory_space<vmem>> -> memref<1x16x1024xf32, #tpu.memory_space<vmem>>
    %dma_wait3A_100 = tpu.memref_squeeze %dma_wait3A_99 : memref<1x16x1024xf32, #tpu.memory_space<vmem>> -> memref<16x1024xf32, #tpu.memory_space<vmem>>
    tpu.wait_dma2 semaphore(%arg17 : memref<!tpu.dma_semaphore, #tpu.memory_space<semaphore_mem>>) src(%dma_wait3A_100 : memref<16x1024xf32, #tpu.memory_space<vmem>>) dst(%dma_wait3A_96 : memref<16x1024xf32, #tpu.memory_space<hbm>>)
    %add3A_101 = arith.constant 976 : i32
    %add3A_102 = arith.addi %mul3A_2, %add3A_101 : i32
    %dma_wait3A_103 = arith.constant 1 : i32
    %dma_wait3A_104 = arith.constant 0 : i32
    %dma_wait3A_105 = arith.constant 0 : i32
    %dma_wait3A_106 = tpu.memref_slice %arg10[%dma_wait3A_103, %dma_wait3A_104, %dma_wait3A_105] : memref<4x16x1024xf32, #tpu.memory_space<vmem>> -> memref<1x16x1024xf32, #tpu.memory_space<vmem>>
    %dma_wait3A_107 = tpu.memref_squeeze %dma_wait3A_106 : memref<1x16x1024xf32, #tpu.memory_space<vmem>> -> memref<16x1024xf32, #tpu.memory_space<vmem>>
    %dma_wait3A_108 = arith.constant 0 : i32
    %dma_wait3A_109 = tpu.memref_slice %arg5[%add3A_102, %dma_wait3A_108] : memref<32768x1024xf32, #tpu.memory_space<hbm>> -> memref<16x1024xf32, #tpu.memory_space<hbm>>
    %dma_wait3A_110 = arith.constant 0 : i32
    %dma_wait3A_111 = tpu.memref_slice %arg5[%add3A_102, %dma_wait3A_110] : memref<32768x1024xf32, #tpu.memory_space<hbm>> -> memref<16x1024xf32, #tpu.memory_space<hbm>>
    %dma_wait3A_112 = arith.constant 0 : i32
    %dma_wait3A_113 = arith.constant 0 : i32
    %dma_wait3A_114 = tpu.memref_slice %arg10[%dma_wait3A_103, %dma_wait3A_112, %dma_wait3A_113] : memref<4x16x1024xf32, #tpu.memory_space<vmem>> -> memref<1x16x1024xf32, #tpu.memory_space<vmem>>
    %dma_wait3A_115 = tpu.memref_squeeze %dma_wait3A_114 : memref<1x16x1024xf32, #tpu.memory_space<vmem>> -> memref<16x1024xf32, #tpu.memory_space<vmem>>
    tpu.wait_dma2 semaphore(%arg18 : memref<!tpu.dma_semaphore, #tpu.memory_space<semaphore_mem>>) src(%dma_wait3A_115 : memref<16x1024xf32, #tpu.memory_space<vmem>>) dst(%dma_wait3A_111 : memref<16x1024xf32, #tpu.memory_space<hbm>>)
    %add3A_116 = arith.constant 992 : i32
    %add3A_117 = arith.addi %mul3A_2, %add3A_116 : i32
    %dma_wait3A_118 = arith.constant 2 : i32
    %dma_wait3A_119 = arith.constant 0 : i32
    %dma_wait3A_120 = arith.constant 0 : i32
    %dma_wait3A_121 = tpu.memref_slice %arg10[%dma_wait3A_118, %dma_wait3A_119, %dma_wait3A_120] : memref<4x16x1024xf32, #tpu.memory_space<vmem>> -> memref<1x16x1024xf32, #tpu.memory_space<vmem>>
    %dma_wait3A_122 = tpu.memref_squeeze %dma_wait3A_121 : memref<1x16x1024xf32, #tpu.memory_space<vmem>> -> memref<16x1024xf32, #tpu.memory_space<vmem>>
    %dma_wait3A_123 = arith.constant 0 : i32
    %dma_wait3A_124 = tpu.memref_slice %arg5[%add3A_117, %dma_wait3A_123] : memref<32768x1024xf32, #tpu.memory_space<hbm>> -> memref<16x1024xf32, #tpu.memory_space<hbm>>
    %dma_wait3A_125 = arith.constant 0 : i32
    %dma_wait3A_126 = tpu.memref_slice %arg5[%add3A_117, %dma_wait3A_125] : memref<32768x1024xf32, #tpu.memory_space<hbm>> -> memref<16x1024xf32, #tpu.memory_space<hbm>>
    %dma_wait3A_127 = arith.constant 0 : i32
    %dma_wait3A_128 = arith.constant 0 : i32
    %dma_wait3A_129 = tpu.memref_slice %arg10[%dma_wait3A_118, %dma_wait3A_127, %dma_wait3A_128] : memref<4x16x1024xf32, #tpu.memory_space<vmem>> -> memref<1x16x1024xf32, #tpu.memory_space<vmem>>
    %dma_wait3A_130 = tpu.memref_squeeze %dma_wait3A_129 : memref<1x16x1024xf32, #tpu.memory_space<vmem>> -> memref<16x1024xf32, #tpu.memory_space<vmem>>
    tpu.wait_dma2 semaphore(%arg19 : memref<!tpu.dma_semaphore, #tpu.memory_space<semaphore_mem>>) src(%dma_wait3A_130 : memref<16x1024xf32, #tpu.memory_space<vmem>>) dst(%dma_wait3A_126 : memref<16x1024xf32, #tpu.memory_space<hbm>>)
    %add3A_131 = arith.constant 1008 : i32
    %add3A_132 = arith.addi %mul3A_2, %add3A_131 : i32
    %dma_wait3A_133 = arith.constant 3 : i32
    %dma_wait3A_134 = arith.constant 0 : i32
    %dma_wait3A_135 = arith.constant 0 : i32
    %dma_wait3A_136 = tpu.memref_slice %arg10[%dma_wait3A_133, %dma_wait3A_134, %dma_wait3A_135] : memref<4x16x1024xf32, #tpu.memory_space<vmem>> -> memref<1x16x1024xf32, #tpu.memory_space<vmem>>
    %dma_wait3A_137 = tpu.memref_squeeze %dma_wait3A_136 : memref<1x16x1024xf32, #tpu.memory_space<vmem>> -> memref<16x1024xf32, #tpu.memory_space<vmem>>
    %dma_wait3A_138 = arith.constant 0 : i32
    %dma_wait3A_139 = tpu.memref_slice %arg5[%add3A_132, %dma_wait3A_138] : memref<32768x1024xf32, #tpu.memory_space<hbm>> -> memref<16x1024xf32, #tpu.memory_space<hbm>>
    %dma_wait3A_140 = arith.constant 0 : i32
    %dma_wait3A_141 = tpu.memref_slice %arg5[%add3A_132, %dma_wait3A_140] : memref<32768x1024xf32, #tpu.memory_space<hbm>> -> memref<16x1024xf32, #tpu.memory_space<hbm>>
    %dma_wait3A_142 = arith.constant 0 : i32
    %dma_wait3A_143 = arith.constant 0 : i32
    %dma_wait3A_144 = tpu.memref_slice %arg10[%dma_wait3A_133, %dma_wait3A_142, %dma_wait3A_143] : memref<4x16x1024xf32, #tpu.memory_space<vmem>> -> memref<1x16x1024xf32, #tpu.memory_space<vmem>>
    %dma_wait3A_145 = tpu.memref_squeeze %dma_wait3A_144 : memref<1x16x1024xf32, #tpu.memory_space<vmem>> -> memref<16x1024xf32, #tpu.memory_space<vmem>>
    tpu.wait_dma2 semaphore(%arg20 : memref<!tpu.dma_semaphore, #tpu.memory_space<semaphore_mem>>) src(%dma_wait3A_145 : memref<16x1024xf32, #tpu.memory_space<vmem>>) dst(%dma_wait3A_141 : memref<16x1024xf32, #tpu.memory_space<hbm>>)
    %gt3A = arith.constant 0 : i32
    %gt3A_146 = arith.cmpi sgt, %scan3A_85, %gt3A : i32
    %convert_element_type3A = arith.extui %gt3A_146 : i1 to i32
    %cond3A = arith.constant 0 : i32
    %cond3A_147 = arith.cmpi ne, %convert_element_type3A, %cond3A : i32
    scf.if %cond3A_147 {
      %iota3A = tpu.iota {dimensions = array<i32: 0>} : vector<16xi32>
      %eq3A = arith.constant 0 : i32
      %eq3A_148 = vector.broadcast %eq3A : i32 to vector<16xi32>
      %eq3A_149 = arith.cmpi eq, %iota3A, %eq3A_148 : vector<16xi32>
      %get3A_150 = arith.constant 0 : index
      %get3A_151 = tpu.vector_load %arg8[%get3A_150] {strides = array<i32>} : memref<1040xi32, #tpu.memory_space<vmem>>, vector<16xi32>,
      %jit3A = arith.constant 0 : i32
      %broadcast_in_dim3A = vector.broadcast %jit3A : i32 to vector<16xi32>
      %select_n3A_152 = arith.select %eq3A_149, %get3A_151, %broadcast_in_dim3A : vector<16xi1>, vector<16xi32>
      %reduce_sum3A = arith.constant true
      %reduce_sum3A_153 = vector.broadcast %reduce_sum3A : i1 to vector<16xi1>
      %reduce_sum3A_154 = tpu.scan <sum>, %select_n3A_152 masked %reduce_sum3A_153 : vector<16xi32>, vector<16xi1> -> vector<16xi32>
      %reduce_sum3A_155 = vector.extract %reduce_sum3A_154[15] : i32 from vector<16xi32>
      %get3A_156 = arith.constant 0 : index
      %get3A_157 = tpu.vector_load %arg9[%get3A_156] {strides = array<i32>} : memref<1040xi32, #tpu.memory_space<vmem>>, vector<16xi32>,
      %jit3A_158 = arith.constant 0 : i32
      %broadcast_in_dim3A_159 = vector.broadcast %jit3A_158 : i32 to vector<16xi32>
      %select_n3A_160 = arith.select %eq3A_149, %get3A_157, %broadcast_in_dim3A_159 : vector<16xi1>, vector<16xi32>
      %reduce_sum3A_161 = arith.constant true
      %reduce_sum3A_162 = vector.broadcast %reduce_sum3A_161 : i1 to vector<16xi1>
      %reduce_sum3A_163 = tpu.scan <sum>, %select_n3A_160 masked %reduce_sum3A_162 : vector<16xi32>, vector<16xi1> -> vector<16xi32>
      %reduce_sum3A_164 = vector.extract %reduce_sum3A_163[15] : i32 from vector<16xi32>
      %add3A_165 = vector.broadcast %scan3A_85 : i32 to vector<16xi32>
      %add3A_166 = arith.addi %add3A_165, %iota3A : vector<16xi32>
      %broadcast_in_dim3A_167 = arith.constant 0 : i32
      %broadcast_in_dim3A_168 = vector.broadcast %broadcast_in_dim3A_167 : i32 to vector<16xi32>
      %add3A_169 = vector.broadcast %reduce_sum3A_155 : i32 to vector<16xi32>
      %add3A_170 = arith.addi %broadcast_in_dim3A_168, %add3A_169 : vector<16xi32>
      tpu.vector_store_idx %arg8[%add3A_166], %add3A_170 : memref<1040xi32, #tpu.memory_space<vmem>>[vector<16xi32>], vector<16xi32>,
      %broadcast_in_dim3A_171 = arith.constant 0 : i32
      %broadcast_in_dim3A_172 = vector.broadcast %broadcast_in_dim3A_171 : i32 to vector<16xi32>
      %add3A_173 = vector.broadcast %reduce_sum3A_164 : i32 to vector<16xi32>
      %add3A_174 = arith.addi %broadcast_in_dim3A_172, %add3A_173 : vector<16xi32>
      tpu.vector_store_idx %arg9[%add3A_166], %add3A_174 : memref<1040xi32, #tpu.memory_space<vmem>>[vector<16xi32>], vector<16xi32>,
      %add3A_175 = arith.constant 16 : i32
      %add3A_176 = arith.addi %scan3A_85, %add3A_175 : i32
      %sub3A_177 = arith.constant 1 : i32
      %sub3A_178 = arith.subi %add3A_176, %sub3A_177 : i32
      %jit3A_179 = arith.constant 16 : i32
      %div3A = arith.divsi %sub3A_178, %jit3A_179 : i32
      %sign3A = arith.constant 0 : i32
      %sign3A_180 = arith.cmpi sgt, %sub3A_178, %sign3A : i32
      %sign3A_181 = arith.extui %sign3A_180 : i1 to i32
      %sign3A_182 = arith.constant 0 : i32
      %sign3A_183 = arith.cmpi slt, %sub3A_178, %sign3A_182 : i32
      %sign3A_184 = arith.extui %sign3A_183 : i1 to i32
      %sign3A_185 = arith.subi %sign3A_181, %sign3A_184 : i32
      %sign3A_186 = arith.constant 0 : i32
      %sign3A_187 = arith.cmpi sgt, %jit3A_179, %sign3A_186 : i32
      %sign3A_188 = arith.extui %sign3A_187 : i1 to i32
      %sign3A_189 = arith.constant 0 : i32
      %sign3A_190 = arith.cmpi slt, %jit3A_179, %sign3A_189 : i32
      %sign3A_191 = arith.extui %sign3A_190 : i1 to i32
      %sign3A_192 = arith.subi %sign3A_188, %sign3A_191 : i32
      %ne3A = arith.cmpi ne, %sign3A_185, %sign3A_192 : i32
      %rem3A = arith.remsi %sub3A_178, %jit3A_179 : i32
      %ne3A_193 = arith.constant 0 : i32
      %ne3A_194 = arith.cmpi ne, %rem3A, %ne3A_193 : i32
      %and3A = arith.andi %ne3A, %ne3A_194 : i1
      %sub3A_195 = arith.constant 1 : i32
      %sub3A_196 = arith.subi %div3A, %sub3A_195 : i32
      %select_n3A_197 = arith.select %and3A, %sub3A_196, %div3A : i32
      %while3A = arith.constant 0 : i32
      %while3A_198 = arith.constant 0 : i32
      %while3A_199 = arith.subi %select_n3A_197, %while3A : i32
      %while3A_200 = arith.addi %while3A, %while3A_199 : i32
      %while3A_201 = arith.constant 1 : i32
      %while3A_202 = arith.divsi %while3A_199, %while3A_201 : i32
      %while3A_203 = arith.muli %while3A_202, %while3A_201 : i32
      %while3A_204 = arith.addi %while3A, %while3A_203 : i32
      %while3A_205 = arith.constant 1 : i32
      %while3A_206 = scf.for %while3A_209 = %while3A to %while3A_204 step %while3A_205 iter_args(%while3A_210 = %while3A_198) -> (i32)  : i32 {
        %mul3A_211 = arith.constant 16 : i32
        %mul3A_212 = arith.muli %while3A_209, %mul3A_211 : i32
        %get3A_213 = arith.index_cast %mul3A_212 : i32 to index
        %get3A_214 = tpu.vector_load %arg9[%get3A_213] {strides = array<i32>} : memref<1040xi32, #tpu.memory_space<vmem>>, vector<16xi32>,
        %mul3A_215 = arith.constant 16 : i32
        %mul3A_216 = arith.muli %while3A_209, %mul3A_215 : i32
        %get3A_217 = arith.index_cast %mul3A_216 : i32 to index
        %get3A_218 = tpu.vector_load %arg8[%get3A_217] {strides = array<i32>} : memref<1040xi32, #tpu.memory_space<vmem>>, vector<16xi32>,
        %dma_start3A_219 = arith.constant 0 : i32
        %dma_start3A_220 = arith.constant 0 : i32
        %dma_start3A_221 = tpu.memref_slice %arg4[%dma_start3A_219, %dma_start3A_220] : memref<100x1024xf32, #tpu.memory_space<hbm>> -> memref<100x1024xf32, #tpu.memory_space<hbm>>
        tpu.enqueue_indirect_dma source(%dma_start3A_221 : memref<100x1024xf32, #tpu.memory_space<hbm>>) target(%arg11 : memref<16x1024xf32, #tpu.memory_space<vmem>>) offsets(%get3A_214 : vector<16xi32>) semaphore(%arg12 : memref<!tpu.dma_semaphore, #tpu.memory_space<semaphore_mem>>)
        %dma_wait3A_222 = arith.constant 0 : i32
        %dma_wait3A_223 = arith.constant 0 : i32
        %dma_wait3A_224 = tpu.memref_slice %arg4[%dma_wait3A_222, %dma_wait3A_223] : memref<100x1024xf32, #tpu.memory_space<hbm>> -> memref<100x1024xf32, #tpu.memory_space<hbm>>
        tpu.wait_indirect_dma semaphore(%arg12 : memref<!tpu.dma_semaphore, #tpu.memory_space<semaphore_mem>>) src(%dma_wait3A_224 : memref<100x1024xf32, #tpu.memory_space<hbm>>) dst(%arg11 : memref<16x1024xf32, #tpu.memory_space<vmem>>)
        %dma_start3A_225 = arith.constant 0 : i32
        %dma_start3A_226 = arith.constant 0 : i32
        %dma_start3A_227 = tpu.memref_slice %arg5[%dma_start3A_225, %dma_start3A_226] : memref<32768x1024xf32, #tpu.memory_space<hbm>> -> memref<32768x1024xf32, #tpu.memory_space<hbm>>
        tpu.enqueue_indirect_dma source(%arg11 : memref<16x1024xf32, #tpu.memory_space<vmem>>) target(%dma_start3A_227 : memref<32768x1024xf32, #tpu.memory_space<hbm>>) offsets(%get3A_218 : vector<16xi32>) semaphore(%arg12 : memref<!tpu.dma_semaphore, #tpu.memory_space<semaphore_mem>>)
        %dma_wait3A_228 = arith.constant 0 : i32
        %dma_wait3A_229 = arith.constant 0 : i32
        %dma_wait3A_230 = tpu.memref_slice %arg5[%dma_wait3A_228, %dma_wait3A_229] : memref<32768x1024xf32, #tpu.memory_space<hbm>> -> memref<32768x1024xf32, #tpu.memory_space<hbm>>
        tpu.wait_indirect_dma semaphore(%arg12 : memref<!tpu.dma_semaphore, #tpu.memory_space<semaphore_mem>>) src(%arg11 : memref<16x1024xf32, #tpu.memory_space<vmem>>) dst(%dma_wait3A_230 : memref<32768x1024xf32, #tpu.memory_space<hbm>>)
        %while3A_231 = arith.constant 0 : i32
        scf.yield %while3A_231 : i32
      }
      %while3A_207 = arith.constant 1 : i32
      %while3A_208 = scf.for %while3A_209 = %while3A_204 to %while3A_200 step %while3A_207 iter_args(%while3A_210 = %while3A_206) -> (i32)  : i32 {
        %mul3A_211 = arith.constant 16 : i32
        %mul3A_212 = arith.muli %while3A_209, %mul3A_211 : i32
        %get3A_213 = arith.index_cast %mul3A_212 : i32 to index
        %get3A_214 = tpu.vector_load %arg9[%get3A_213] {strides = array<i32>} : memref<1040xi32, #tpu.memory_space<vmem>>, vector<16xi32>,
        %mul3A_215 = arith.constant 16 : i32
        %mul3A_216 = arith.muli %while3A_209, %mul3A_215 : i32
        %get3A_217 = arith.index_cast %mul3A_216 : i32 to index
        %get3A_218 = tpu.vector_load %arg8[%get3A_217] {strides = array<i32>} : memref<1040xi32, #tpu.memory_space<vmem>>, vector<16xi32>,
        %dma_start3A_219 = arith.constant 0 : i32
        %dma_start3A_220 = arith.constant 0 : i32
        %dma_start3A_221 = tpu.memref_slice %arg4[%dma_start3A_219, %dma_start3A_220] : memref<100x1024xf32, #tpu.memory_space<hbm>> -> memref<100x1024xf32, #tpu.memory_space<hbm>>
        tpu.enqueue_indirect_dma source(%dma_start3A_221 : memref<100x1024xf32, #tpu.memory_space<hbm>>) target(%arg11 : memref<16x1024xf32, #tpu.memory_space<vmem>>) offsets(%get3A_214 : vector<16xi32>) semaphore(%arg12 : memref<!tpu.dma_semaphore, #tpu.memory_space<semaphore_mem>>)
        %dma_wait3A_222 = arith.constant 0 : i32
        %dma_wait3A_223 = arith.constant 0 : i32
        %dma_wait3A_224 = tpu.memref_slice %arg4[%dma_wait3A_222, %dma_wait3A_223] : memref<100x1024xf32, #tpu.memory_space<hbm>> -> memref<100x1024xf32, #tpu.memory_space<hbm>>
        tpu.wait_indirect_dma semaphore(%arg12 : memref<!tpu.dma_semaphore, #tpu.memory_space<semaphore_mem>>) src(%dma_wait3A_224 : memref<100x1024xf32, #tpu.memory_space<hbm>>) dst(%arg11 : memref<16x1024xf32, #tpu.memory_space<vmem>>)
        %dma_start3A_225 = arith.constant 0 : i32
        %dma_start3A_226 = arith.constant 0 : i32
        %dma_start3A_227 = tpu.memref_slice %arg5[%dma_start3A_225, %dma_start3A_226] : memref<32768x1024xf32, #tpu.memory_space<hbm>> -> memref<32768x1024xf32, #tpu.memory_space<hbm>>
        tpu.enqueue_indirect_dma source(%arg11 : memref<16x1024xf32, #tpu.memory_space<vmem>>) target(%dma_start3A_227 : memref<32768x1024xf32, #tpu.memory_space<hbm>>) offsets(%get3A_218 : vector<16xi32>) semaphore(%arg12 : memref<!tpu.dma_semaphore, #tpu.memory_space<semaphore_mem>>)
        %dma_wait3A_228 = arith.constant 0 : i32
        %dma_wait3A_229 = arith.constant 0 : i32
        %dma_wait3A_230 = tpu.memref_slice %arg5[%dma_wait3A_228, %dma_wait3A_229] : memref<32768x1024xf32, #tpu.memory_space<hbm>> -> memref<32768x1024xf32, #tpu.memory_space<hbm>>
        tpu.wait_indirect_dma semaphore(%arg12 : memref<!tpu.dma_semaphore, #tpu.memory_space<semaphore_mem>>) src(%arg11 : memref<16x1024xf32, #tpu.memory_space<vmem>>) dst(%dma_wait3A_230 : memref<32768x1024xf32, #tpu.memory_space<hbm>>)
        %while3A_231 = arith.constant 0 : i32
        scf.yield %while3A_231 : i32
      }
    } else {
    }
    return
  }
}

</mosaic_0001>

<sc_bundles>
// kernel: _run.3.cloned.1.call-start
scs
__scs_entry_jumppad:
0x0: {  	(pc) =	sbr.rel $0x88, $3  }
0x1: {  	(tag) =	ssettag $0x0;
	lr =	simm.s32 $0x1  }
0x2: {  	[smem:$0x3F9E] =	sst lr;
	_ =	strace $0xD0000000  }
0x3: {  	_ = 	snop  }
0x4: {  	_ = 	snop  }
0x5: {  	_ = 	snop  }
0x6: {  	_ = 	snop  }
0x7: {  	_ = 	snop  }
__scs_overlays_trampoline_lowered:
0x8: {  	[smem:$0x3FAD] =	sst s0  }
0x9: {  	[smem:$0x3FAE] =	sst s1  }
0xa: {  	[smem:$0x3FAF] =	sst s2  }
0xb: {  	[smem:$0x3FB0] =	sst s3  }
0xc: {  	[smem:$0x3FB1] =	sst s4  }
0xd: {  	[smem:$0x3FB2] =	sst s5  }
0xe: {  	[smem:$0x3FB3] =	sst s6  }
0xf: {  	[smem:$0x3FB4] =	sst s7  }
0x10: {  	[smem:$0x3FB5] =	sst s8  }
0x11: {  	[smem:$0x3FB6] =	sst s9;
	s0 =	simm.s32 @!p0 $0x0  }
0x12: {  	s1 =	sld [smem:$0x3F9C];
	s0 =	simm.s32 @p0 $0x1  }
0x13: {  	[smem:$0x3FB7] =	sst s0;
	s0 =	simm.s32 @!p1 $0x0  }
0x14: {  	s2 =	sld [smem:$0x3F9B];
	s0 =	simm.s32 @p1 $0x1  }
0x15: {  	[smem:$0x3FB8] =	sst s0;
	s0 =	simm.s32 @!p2 $0x0  }
0x16: {  	s3 =	sld [smem:$0x3FDB];
	s0 =	simm.s32 @p2 $0x1  }
0x17: {  	s4 =	simm.s32 $0x1BF5;
	[smem:$0x3FBA] =	sst s0  }
0x18: {  	s0 =	sld [smem:$0x3F9D];
	_ =	swait.ge [sflag:s4], $0x0  }
0x19: {  	s7 =	sld [smem:$0x3F9E]  }
0x1a: {  	s8 =	sadd.s32 $0xFFFFE003, lr  }
0x1b: {  	s9 =	sadd.s32 $0xFFFFFEF7, lr;
	s5 =	simm.s32 $0xFFFFFFFF;
	p2 =	slt.u32 s8, $0xFFFFF086  }
0x1c: {  	p1 =	slt.u32 s9, $0xF7A;
	s5 =	simm.s32 @!p2 $0x0  }
0x1d: {  	s5 =	simm.s32 @p1 $0x1;
	p0 =	seq.s32 s7, s2  }
0x1e: {  	s7 =	smul.u32 @!p0 $0xF7A, s2;
	p2 =	seq.s32 @!p0 s5, $0x0  }
0x1f: {  	s9 =	smul.u32 $0xF7A, s1;
	s8 =	simm.s32 @!p0 $0x1BF5;
	p2 =	por !p2, p0  }
0x20: {  	[sflag:s8] =	ssyncset.s32 @!p0 $0xFFFFF086;
	s6 =	sadd.s32 @!p0 s3, s7;
	s7 =	simm.s32 @!p0 $0x108  }
0x21: {  	s3 =	sadd.s32 s3, s9;
	s6 =	sadd.s32 @!p0 $0x88, s6;
	s7 =	simm.s32 @p2 $0x1082  }
0x22: {  	[simem:s7], [sflag:s8] =	dma.local @!p0 [hbm:s6], $0xF7A  }
0x23: {  	s9 =	sor.u32 $0xD0000000, s2;
	s6 =	simm.s32 $0x108;
	_ =	swait.ge @!p0 [sflag:s8], $0x0  }
0x24: {  	s3 =	sadd.s32 $0x88, s3;
	s6 =	simm.s32 @!p1 $0x1082;
	[sflag:s4] =	ssyncset.s32 $0xFFFFF086  }
0x25: {  	[simem:s6], [sflag:s4] =	dma.local [hbm:s3], $0xF7A  }
0x26: {  	[smem:$0x3F9E] =	sst s1;
	(tag) =	ssettag s2;
	_ =	strace s9  }
0x27: {  	s1 =	sld [smem:$0x3FAE]  }
0x28: {  	s2 =	sld [smem:$0x3FAF]  }
0x29: {  	s4 =	sld [smem:$0x3FB1]  }
0x2a: {  	p0 =	seq.s32 s5, $0x0;
	s5 =	sld [smem:$0x3FB2]  }
0x2b: {  	s6 =	sld [smem:$0x3FB3]  }
0x2c: {  	s7 =	sld [smem:$0x3FB4]  }
0x2d: {  	s3 =	simm.s32 $0x108;
	s8 =	sld [smem:$0x3FB5]  }
0x2e: {  	s3 =	simm.s32 @!p0 $0x1082;
	s9 =	sld [smem:$0x3FB6]  }
0x2f: {  	lr =	sadd.s32 s0, s3;
	s0 =	sld [smem:$0x3FAD]  }
0x30: {  	s3 =	sld [smem:$0x3FB0]  }
0x31: {  	[smem:$0x3FB9] =	sst s10  }
0x32: {  	s10 =	sld [smem:$0x3FB7];
	_ =	sdelay $0x3  }
0x33: {  	p0 =	seq.s32 s10, $0x1;
	s10 =	sld [smem:$0x3FB9];
	_ =	sdelay $0x3  }
0x34: {  	[smem:$0x3FB9] =	sst s10  }
0x35: {  	s10 =	sld [smem:$0x3FB8];
	_ =	sdelay $0x3  }
0x36: {  	p1 =	seq.s32 s10, $0x1;
	s10 =	sld [smem:$0x3FB9];
	_ =	sdelay $0x3  }
0x37: {  	[smem:$0x3FB9] =	sst s10  }
0x38: {  	s10 =	sld [smem:$0x3FBA]  }
0x39: {  	_ = 	snop;
	(pc) =	sbr.ind lr, $3  }
0x3a: {  	_ = 	snop  }
0x3b: {  	_ = 	snop  }
0x3c: {  	p2 =	seq.s32 s10, $0x1;
	s10 =	sld [smem:$0x3FB9]  }
0x3d: {  	_ =	shalt  }
0x3e: {  	_ =	shalt  }
0x3f: {  	_ =	shalt  }
0x40: {  	_ =	shalt  }
0x41: {  	_ =	shalt  }
0x42: {  	_ =	shalt  }
0x43: {  	_ =	shalt  }
0x44: {  	_ =	shalt  }
0x45: {  	_ =	shalt  }
0x46: {  	_ =	shalt  }
0x47: {  	_ =	shalt  }
0x48: {  	_ =	shalt  }
0x49: {  	_ =	shalt  }
0x4a: {  	_ =	shalt  }
0x4b: {  	_ =	shalt  }
0x4c: {  	_ =	shalt  }
0x4d: {  	_ =	shalt  }
0x4e: {  	_ =	shalt  }
0x4f: {  	_ =	shalt  }
0x50: {  	_ =	shalt  }
0x51: {  	_ =	shalt  }
0x52: {  	_ =	shalt  }
0x53: {  	_ =	shalt  }
0x54: {  	_ =	shalt  }
0x55: {  	_ =	shalt  }
0x56: {  	_ =	shalt  }
0x57: {  	_ =	shalt  }
0x58: {  	_ =	shalt  }
0x59: {  	_ =	shalt  }
0x5a: {  	_ =	shalt  }
0x5b: {  	_ =	shalt  }
0x5c: {  	_ =	shalt  }
0x5d: {  	_ =	shalt  }
0x5e: {  	_ =	shalt  }
0x5f: {  	_ =	shalt  }
0x60: {  	_ =	shalt  }
0x61: {  	_ =	shalt  }
0x62: {  	_ =	shalt  }
0x63: {  	_ =	shalt  }
0x64: {  	_ =	shalt  }
0x65: {  	_ =	shalt  }
0x66: {  	_ =	shalt  }
0x67: {  	_ =	shalt  }
0x68: {  	_ =	shalt  }
0x69: {  	_ =	shalt  }
0x6a: {  	_ =	shalt  }
0x6b: {  	_ =	shalt  }
0x6c: {  	_ =	shalt  }
0x6d: {  	_ =	shalt  }
0x6e: {  	_ =	shalt  }
0x6f: {  	_ =	shalt  }
0x70: {  	_ =	shalt  }
0x71: {  	_ =	shalt  }
0x72: {  	_ =	shalt  }
0x73: {  	_ =	shalt  }
0x74: {  	_ =	shalt  }
0x75: {  	_ =	shalt  }
0x76: {  	_ =	shalt  }
0x77: {  	_ =	shalt  }
0x78: {  	_ =	shalt  }
0x79: {  	_ =	shalt  }
0x7a: {  	_ =	shalt  }
0x7b: {  	_ =	shalt  }
0x7c: {  	_ =	shalt  }
0x7d: {  	_ =	shalt  }
0x7e: {  	_ =	shalt  }
0x7f: {  	_ =	shalt  }
0x80: {  	_ =	shalt  }
0x81: {  	_ =	shalt  }
0x82: {  	_ =	shalt  }
0x83: {  	_ =	shalt  }
0x84: {  	_ =	shalt  }
0x85: {  	_ =	shalt  }
0x86: {  	_ =	shalt  }
0x87: {  	_ =	shalt  }
.Lfunc_end0:
.L_simem_size_0:
called_computation_lowered:
.L_overlay_start_0:
0x88: {  	s2 =	sld [smem:$0x3FD9]  }
0x89: {  	s3 =	sld [smem:$0x3FFE];
	_ =	sdelay $0x1  }
0x8a: {  	s1 =	srdreg.scid  }
0x8b: {  	s0 =	sand.u32 $0x1, s1  }
0x8c: {  	s18 =	sshll.u32 s0, $0xA;
	s2 =	sadd.s32 s3, s2  }
0x8d: {  	s2 =	sadd.s32 s2, s18  }
0x8e: {  	[smem:$0x3FC5] =	sst s2  }
0x8f: {  	_ = 	snop  }
0x90: {  	s2 =	sld [smem:$0x3FC9]  }
0x91: {  	s19 =	sld [smem:$0x3FC8]  }
0x92: {  	s4 =	sld [smem:$0x3FC7]  }
0x93: {  	s5 =	sld [smem:$0x3FD0];
	(tm) =	ssettm $0x1  }
0x94: {  	s6 =	sld [smem:$0x3FFB];
	_ =	sdelay $0x3  }
0x95: {  	_ =	strace s6  }
0x96: {  	s6 =	sld [smem:$0x3FFC];
	_ =	sdelay $0x3  }
0x97: {  	_ =	strace s6  }
0x98: {  	s6 =	sld [smem:$0x3FFD];
	_ =	sdelay $0x3  }
0x99: {  	_ =	strace s6  }
0x9a: {  	_ =	strace $0x8FFFFFFF  }
0x9b: {  	s20 =	sld [smem:$0x3FDB];
	_ =	sdelay $0x1  }
0x9c: {  	s7 =	simm.s32 $_scs_section_size  }
0x9d: {  	s8 =	simm.s32 $_size__tile_overlayer_lowered;
	s9 =	simm.s32 $_tile_overlayer_lowered  }
0x9e: {  	s23 =	simm.s32 $0x1BFF;
	s22 =	sshll.u32 s9, $0x1;
	s6 =	sadd.s32 s7, s20  }
0x9f: {  	s10 =	simm.s32 $0x0;
	s21 =	sshll.u32 s8, $0x1;
	s8 =	sadd.s32 s22, s6  }
0xa0: {  	[timem:s10], [sflag:s23] =	dma.local [hbm:s8], s21  }
0xa1: {  	_ =	swait.ge [sflag:s23], s21  }
0xa2: {  	s7 =	ssub.s32 $0x0, s21;
	[sflag:s23] =	ssyncset.done $0x0  }
0xa3: {  	[sflag:s23] =	ssyncadd.s32 s7;
	_ =	sdelay $0x1  }
0xa4: {  	s24 =	simm.s32 $0x1B8B  }
0xa5: {  	_ =	swait.ge [sflag:s24], $0x1  }
0xa6: {  	[sflag:s24] =	ssyncset.done $0x0  }
0xa7: {  	s25 =	simm.s32 $0x1B8E;
	[sflag:s24] =	ssyncadd.s32 $0xFFFFFFFF  }
0xa8: {  	s26 =	simm.s32 $execute0_lowered;
	[smem:$0x3FD2] =	sst s25  }
0xa9: {  	s7 =	sshll.u32 s26, $0x1;
	_ =	strace $0x80000046;
	[dreg:$0x1] =	wrdreg $0xFFFFFFFF  }
0xaa: {  	s28 =	simm.s32 $_size_execute0_lowered;
	s6 =	sadd.s32 s6, s7;
	[dreg:$0x0] =	wrdreg $0x0  }
0xab: {  	s7 =	sshll.u32 s28, $0x1;
	[dreg:$0x2] =	wrdreg s6  }
0xac: {  	[dreg:$0x3] =	wrdreg s7  }
0xad: {  	[dreg:$0x4] =	wrdreg $0xC0  }
0xae: {  	_ =	task [dreg:s10], $0x5FFFF  }
0xaf: {  	[dreg:$0x1] =	wrdreg $0xFFFFFFFF  }
0xb0: {  	[dreg:$0x0] =	wrdreg $0x60  }
0xb1: {  	[dreg:$0x2] =	wrdreg s2  }
0xb2: {  	[dreg:$0x3] =	wrdreg s19  }
0xb3: {  	[dreg:$0x4] =	wrdreg s4  }
0xb4: {  	[dreg:$0x5] =	wrdreg s5  }
0xb5: {  	[dreg:$0x6] =	wrdreg $0x9  }
0xb6: {  	_ =	task.clear_ibuf [dreg:s10], $0x7FFFF;
	_ =	strace $0x90000046  }
0xb7: {  	s29 =	simm.s32 $0x9;
	_ =	strace $0x80000048  }
0xb8: {  	_ =	swait.ge [sflag:s29], $0x1  }
0xb9: {  	[sflag:s29] =	ssyncadd.s32 $0xFFFFFFFF  }
0xba: {  	_ =	strace $0x90000048  }
0xbb: {  	_ =	sfence  }
0xbc: {  	s30 =	sld [smem:$0x0];
	_ =	sdelay $0x2  }
0xbd: {  	s31 =	sshll.u32 s1, $0xD;
	s1 =	sshrl.u32 s1, $0x2  }
0xbe: {  	s3 =	sand.u32 $0x4000, s31;
	s1 =	sadd.s32 s1, s30  }
0xbf: {  	s0 =	sor.u32 s3, s0;
	s1 =	sshll.u32 s1, $0x11  }
0xc0: {  	s0 =	sor.u32 s1, s0  }
0xc1: {  	s0 =	sadd.s32 $0x8F2B, s0  }
0xc2: {  	[sflag:s0] =	ssyncadd.remote.s32 $0x1  }
0xc3: {  	_ =	sfence.sel $0xFFFF  }
0xc4: {  	[dreg:$0x0] =	wrdreg $0xFFFFFFFF;
	(pc) =	sbr.abs _section_cstart, $3  }
0xc5: {  	[dreg:$0x1] =	wrdreg $0xFFFFFFFF  }
0xc6: {  	_ =	task.clear_ibuf [dreg:s10], $0x2FFFF;
	_ =	strace $0x9FFFFFFF  }
0xc7: {  	(tm) =	ssettm $0x7FFFFFFF  }
tec
execute0_lowered:
.L_overlay_start_1:
0x0: {  	(tag) =	ssettag $0x1  }
0x1: {  	s0 =	rddreg [dreg:$0x0]  }
0x2: {  	s26 =	rddreg [dreg:$0x1]  }
0x3: {  	s2 =	rddreg [dreg:$0x2]  }
0x4: {  	s4 =	rddreg [dreg:$0x3];
	s3 =	srdreg.scid;
	s5 =	simm.s32 $0x0  }
0x5: {  	s1 =	stileid.u32;
	s17 =	simm.s32 $0x11100;
	s19 =	simm.s32 $0x11900  }
0x6: {  	s30 =	simm.s32 $0x12100;
	s31 =	simm.s32 $0x12900;
	s20 =	simm.s32 $0x14100  }
0x7: {  	s21 =	simm.s32 $0x14900;
	s22 =	simm.s32 $0x1;
	s3 =	sand.u32 $0x1, s3  }
0x8: {  	s7 =	sshll.u32 s1, $0xB;
	[smem:$0x7FF] =	sst s5;
	s28 =	sadd.s32 $0x200, s26  }
0x9: {  	s25 =	sadd.s32 $0x300, s26;
	s10 =	sadd.s32 $0x100, s2;
	s11 =	sadd.s32 $0x200, s2  }
0xa: {  	s12 =	sadd.s32 $0x300, s2;
	s13 =	sadd.s32 $0x100, s4;
	s14 =	sadd.s32 $0x200, s4  }
0xb: {  	s15 =	sadd.s32 $0x300, s4;
	s24 =	sshll.u32 s1, $0x12;
	s1 =	simm.s32 $0x0  }
0xc: {  	s6 =	ssub.s32 $0x2, s3;
	s8 =	sshll.u32 s3, $0xA;
	_ =	strace $0x80000047  }
0xd: {  	s3 =	sshll.u32 s3, $0x11;
	s9 =	sshrl.u32 s6, $0x1;
	s16 =	sor.u32 s8, s7  }
.Ltmp0:
0xe: {  	s7 =	sshrl.u32 s16, $0x3;
	s29 =	sor.u32 $0x30, s16;
	(pc) =	sbr.rel .LBB2_1-.Ltmp0, $4  }
0xf: {  	s6 =	ssub.s32 s6, s9;
	s0 =	sadd.s32 s0, s7;
	[dreg:$0x7] =	wrdreg s29  }
0x10: {  	v0 =	vlaneseq.u32;
	s23 =	smax.u32 s6, $0x1;
	[dreg:$0x5] =	wrdreg s0;
	s0 =	sadd.s32 s24, s4  }
0x11: {  	vm0 =	vmmov $0xffff;
	v4 =	vimm.s32 $0x0;
	v2 =	vshrl.u32 v0, $0x3;
	s9 =	sadd.s32 $0x100, s26;
	[dreg:$0x6] =	wrdreg s23;
	s0 =	sadd.s32 s3, s0  }
0x12: {  	v1 =	vand.u32 $0x7, v0;
	v3 =	vor.u32 $0x8, v0;
	v2 =	vmul.u32 $0x8, v2;
	s6 =	simm.s32 $0x13100;
	s3 =	simm.s32 $0x13900;
	[dreg:$0x8] =	wrdreg s0  }
.LBB2_7:
0x13: {  	[sflag:s22] =	ssyncadd.s32 $0xFFFFC000  }
.LBB2_8:
0x14: {  	s1 =	sadd.s32 $0x1, s1;
	s0 =	rddreg [dreg:$0x6]  }
0x15: {  	p0 =	sne.s32 s1, s0  }
.Ltmp1:
0x16: {  	_ = 	snop;
	(pc) =	sbr.rel @!p0 .LBB2_9-.Ltmp1, $1  }
0x17: {  	_ =	sdelay $0x3  }
.LBB2_1:
0x18: {  	[dreg:$0x9] =	wrdreg s1  }
0x19: {  	s0 =	rddreg [dreg:$0x5];
	s1 =	simm.s32 $0xA  }
0x1a: {  	[tilespmem:s5], [sflag:$0xA] =	stream.linear.gather [hbm4b:s0+s5], $0x400, $0x38;
	[tilespmem:$0x15100] =	vst v63  }
0x1b: {  	_ =	swait.ge [sflag:s1], $0x400  }
0x1c: {  	[sflag:s1] =	ssyncset.done $0x0  }
0x1d: {  	[sflag:s1] =	ssyncadd.s32 $0xFFFFFC00  }
0x1e: {  	v5 =	vld [tilespmem:$0x0];
	_ =	sdelay $0x4  }
0x1f: {  	vm1 =	vgt.s32 v5, $0xC34F;
	v6 =	vadd.s32 $0xFFFF3CB0, v5  }
0x20: {  	v5 =	vsel vm1, v6, v5  }
0x21: {  	v6 =	vshll.u32 v5, $0x3  }
0x22: {  	v7 =	vand.u32 $0x7, v5;
	v6 =	vand.u32 $0xFFFFFFC0, v6  }
0x23: {  	v6 =	vor.u32 v7, v6  }
0x24: {  	v7 =	vperm.xlane v6, v1;
	_ =	sdelay $0x1  }
0x25: {  	v7 =	vadd.s32 v2, v7;
	_ =	sdelay $0x3  }
0x26: {  	s2 =	simm.s32 $0x1100;
	[tilespmem:$0x400] =	vst v5  }
0x27: {  	[tilespmem:s2], [sflag:$0x2] =	stream.indirect_vreg.gather [hbm4b:s26+s5], $0x80, v7, vm0, $0xb8;
	[tilespmem:$0x15100] =	vst v63  }
0x28: {  	s4 =	simm.s32 $0x1900;
	v5 =	vperm.xlane v6, v3  }
0x29: {  	[tilespmem:s4], [sflag:$0x2] =	stream.indirect_vreg.gather [hbm4b:s9+s5], $0x80, v7, vm0, $0xb8;
	[tilespmem:$0x15100] =	vst v63  }
0x2a: {  	s7 =	simm.s32 $0x2100;
	v5 =	vadd.s32 v2, v5  }
0x2b: {  	[tilespmem:s7], [sflag:$0x2] =	stream.indirect_vreg.gather [hbm4b:s28+s5], $0x80, v7, vm0, $0xb8;
	[tilespmem:$0x15100] =	vst v63  }
0x2c: {  	s8 =	simm.s32 $0x2900  }
0x2d: {  	[tilespmem:s8], [sflag:$0x2] =	stream.indirect_vreg.gather [hbm4b:s25+s5], $0x80, v7, vm0, $0xb8;
	[tilespmem:$0x15100] =	vst v63  }
0x2e: {  	s16 =	simm.s32 $0x3100  }
0x2f: {  	[tilespmem:s16], [sflag:$0x2] =	stream.indirect_vreg.gather [hbm4b:s26+s5], $0x80, v5, vm0, $0xb8;
	[tilespmem:$0x15100] =	vst v63  }
0x30: {  	s18 =	simm.s32 $0x3900  }
0x31: {  	[tilespmem:s18], [sflag:$0x2] =	stream.indirect_vreg.gather [hbm4b:s9+s5], $0x80, v5, vm0, $0xb8;
	[tilespmem:$0x15100] =	vst v63  }
0x32: {  	s23 =	simm.s32 $0x4100  }
0x33: {  	[tilespmem:s23], [sflag:$0x2] =	stream.indirect_vreg.gather [hbm4b:s28+s5], $0x80, v5, vm0, $0xb8;
	[tilespmem:$0x15100] =	vst v63  }
0x34: {  	s24 =	simm.s32 $0x4900  }
0x35: {  	[tilespmem:s24], [sflag:$0x2] =	stream.indirect_vreg.gather [hbm4b:s25+s5], $0x80, v5, vm0, $0xb8;
	[tilespmem:$0x15100] =	vst v63  }
0x36: {  	v5 =	vld [tilespmem:$0x10];
	_ =	sdelay $0x4  }
0x37: {  	vm1 =	vgt.s32 v5, $0xC34F;
	v6 =	vadd.s32 $0xFFFF3CB0, v5  }
0x38: {  	v5 =	vsel vm1, v6, v5  }
0x39: {  	v6 =	vshll.u32 v5, $0x3  }
0x3a: {  	v7 =	vand.u32 $0x7, v5;
	v6 =	vand.u32 $0xFFFFFFC0, v6  }
0x3b: {  	v6 =	vor.u32 v7, v6  }
0x3c: {  	v7 =	vperm.xlane v6, v1;
	_ =	sdelay $0x1  }
0x3d: {  	v7 =	vadd.s32 v2, v7;
	_ =	sdelay $0x3  }
0x3e: {  	s1 =	simm.s32 $0x5100;
	[tilespmem:$0x410] =	vst v5  }
0x3f: {  	[tilespmem:s1], [sflag:$0x3] =	stream.indirect_vreg.gather [hbm4b:s26+s5], $0x80, v7, vm0, $0xb8;
	[tilespmem:$0x15100] =	vst v63  }
0x40: {  	s2 =	simm.s32 $0x5900;
	v5 =	vperm.xlane v6, v3  }
0x41: {  	[tilespmem:s2], [sflag:$0x3] =	stream.indirect_vreg.gather [hbm4b:s9+s5], $0x80, v7, vm0, $0xb8;
	[tilespmem:$0x15100] =	vst v63  }
0x42: {  	s4 =	simm.s32 $0x6100;
	v5 =	vadd.s32 v2, v5  }
0x43: {  	[tilespmem:s4], [sflag:$0x3] =	stream.indirect_vreg.gather [hbm4b:s28+s5], $0x80, v7, vm0, $0xb8;
	[tilespmem:$0x15100] =	vst v63  }
0x44: {  	s7 =	simm.s32 $0x6900  }
0x45: {  	[tilespmem:s7], [sflag:$0x3] =	stream.indirect_vreg.gather [hbm4b:s25+s5], $0x80, v7, vm0, $0xb8;
	[tilespmem:$0x15100] =	vst v63  }
0x46: {  	s8 =	simm.s32 $0x7100  }
0x47: {  	[tilespmem:s8], [sflag:$0x3] =	stream.indirect_vreg.gather [hbm4b:s26+s5], $0x80, v5, vm0, $0xb8;
	[tilespmem:$0x15100] =	vst v63  }
0x48: {  	s16 =	simm.s32 $0x7900  }
0x49: {  	[tilespmem:s16], [sflag:$0x3] =	stream.indirect_vreg.gather [hbm4b:s9+s5], $0x80, v5, vm0, $0xb8;
	[tilespmem:$0x15100] =	vst v63  }
0x4a: {  	s18 =	simm.s32 $0x8100  }
0x4b: {  	[tilespmem:s18], [sflag:$0x3] =	stream.indirect_vreg.gather [hbm4b:s28+s5], $0x80, v5, vm0, $0xb8;
	[tilespmem:$0x15100] =	vst v63  }
0x4c: {  	s23 =	simm.s32 $0x8900  }
0x4d: {  	[tilespmem:s23], [sflag:$0x3] =	stream.indirect_vreg.gather [hbm4b:s25+s5], $0x80, v5, vm0, $0xb8;
	[tilespmem:$0x15100] =	vst v63  }
0x4e: {  	v5 =	vld [tilespmem:$0x20];
	_ =	sdelay $0x4  }
0x4f: {  	vm1 =	vgt.s32 v5, $0xC34F;
	v6 =	vadd.s32 $0xFFFF3CB0, v5  }
0x50: {  	v5 =	vsel vm1, v6, v5  }
0x51: {  	v6 =	vshll.u32 v5, $0x3  }
0x52: {  	v7 =	vand.u32 $0x7, v5;
	v6 =	vand.u32 $0xFFFFFFC0, v6  }
0x53: {  	v6 =	vor.u32 v7, v6  }
0x54: {  	v7 =	vperm.xlane v6, v1;
	_ =	sdelay $0x1  }
0x55: {  	v7 =	vadd.s32 v2, v7;
	_ =	sdelay $0x3  }
0x56: {  	s24 =	simm.s32 $0x9100;
	[tilespmem:$0x420] =	vst v5  }
0x57: {  	[tilespmem:s24], [sflag:$0x4] =	stream.indirect_vreg.gather [hbm4b:s26+s5], $0x80, v7, vm0, $0xb8;
	[tilespmem:$0x15100] =	vst v63  }
0x58: {  	s1 =	simm.s32 $0x9900;
	v5 =	vperm.xlane v6, v3  }
0x59: {  	[tilespmem:s1], [sflag:$0x4] =	stream.indirect_vreg.gather [hbm4b:s9+s5], $0x80, v7, vm0, $0xb8;
	[tilespmem:$0x15100] =	vst v63  }
0x5a: {  	s2 =	simm.s32 $0xA100;
	v5 =	vadd.s32 v2, v5  }
0x5b: {  	[tilespmem:s2], [sflag:$0x4] =	stream.indirect_vreg.gather [hbm4b:s28+s5], $0x80, v7, vm0, $0xb8;
	[tilespmem:$0x15100] =	vst v63  }
0x5c: {  	s4 =	simm.s32 $0xA900  }
0x5d: {  	[tilespmem:s4], [sflag:$0x4] =	stream.indirect_vreg.gather [hbm4b:s25+s5], $0x80, v7, vm0, $0xb8;
	[tilespmem:$0x15100] =	vst v63  }
0x5e: {  	s7 =	simm.s32 $0xB100  }
0x5f: {  	[tilespmem:s7], [sflag:$0x4] =	stream.indirect_vreg.gather [hbm4b:s26+s5], $0x80, v5, vm0, $0xb8;
	[tilespmem:$0x15100] =	vst v63  }
0x60: {  	s8 =	simm.s32 $0xB900  }
0x61: {  	[tilespmem:s8], [sflag:$0x4] =	stream.indirect_vreg.gather [hbm4b:s9+s5], $0x80, v5, vm0, $0xb8;
	[tilespmem:$0x15100] =	vst v63  }
0x62: {  	s16 =	simm.s32 $0xC100  }
0x63: {  	[tilespmem:s16], [sflag:$0x4] =	stream.indirect_vreg.gather [hbm4b:s28+s5], $0x80, v5, vm0, $0xb8;
	[tilespmem:$0x15100] =	vst v63  }
0x64: {  	s18 =	simm.s32 $0xC900  }
0x65: {  	[tilespmem:s18], [sflag:$0x4] =	stream.indirect_vreg.gather [hbm4b:s25+s5], $0x80, v5, vm0, $0xb8;
	[tilespmem:$0x15100] =	vst v63  }
0x66: {  	v5 =	vld [tilespmem:$0x30];
	_ =	sdelay $0x4  }
0x67: {  	vm1 =	vgt.s32 v5, $0xC34F;
	v6 =	vadd.s32 $0xFFFF3CB0, v5  }
0x68: {  	v5 =	vsel vm1, v6, v5  }
0x69: {  	v6 =	vshll.u32 v5, $0x3  }
0x6a: {  	v7 =	vand.u32 $0x7, v5;
	v6 =	vand.u32 $0xFFFFFFC0, v6  }
0x6b: {  	v6 =	vor.u32 v7, v6  }
0x6c: {  	v7 =	vperm.xlane v6, v1;
	_ =	sdelay $0x1  }
0x6d: {  	v7 =	vadd.s32 v2, v7;
	_ =	sdelay $0x3  }
0x6e: {  	s23 =	simm.s32 $0xD100;
	[tilespmem:$0x430] =	vst v5  }
0x6f: {  	[tilespmem:s23], [sflag:$0x5] =	stream.indirect_vreg.gather [hbm4b:s26+s5], $0x80, v7, vm0, $0xb8;
	[tilespmem:$0x15100] =	vst v63  }
0x70: {  	s24 =	simm.s32 $0xD900;
	v5 =	vperm.xlane v6, v3  }
0x71: {  	[tilespmem:s24], [sflag:$0x5] =	stream.indirect_vreg.gather [hbm4b:s9+s5], $0x80, v7, vm0, $0xb8;
	[tilespmem:$0x15100] =	vst v63  }
0x72: {  	s1 =	simm.s32 $0xE100;
	v5 =	vadd.s32 v2, v5  }
0x73: {  	[tilespmem:s1], [sflag:$0x5] =	stream.indirect_vreg.gather [hbm4b:s28+s5], $0x80, v7, vm0, $0xb8;
	[tilespmem:$0x15100] =	vst v63  }
0x74: {  	s2 =	simm.s32 $0xE900  }
0x75: {  	[tilespmem:s2], [sflag:$0x5] =	stream.indirect_vreg.gather [hbm4b:s25+s5], $0x80, v7, vm0, $0xb8;
	[tilespmem:$0x15100] =	vst v63  }
0x76: {  	s4 =	simm.s32 $0xF100  }
0x77: {  	[tilespmem:s4], [sflag:$0x5] =	stream.indirect_vreg.gather [hbm4b:s26+s5], $0x80, v5, vm0, $0xb8;
	[tilespmem:$0x15100] =	vst v63  }
0x78: {  	s7 =	simm.s32 $0xF900  }
0x79: {  	[tilespmem:s7], [sflag:$0x5] =	stream.indirect_vreg.gather [hbm4b:s9+s5], $0x80, v5, vm0, $0xb8;
	[tilespmem:$0x15100] =	vst v63  }
0x7a: {  	s29 =	simm.s32 $0x0;
	s8 =	simm.s32 $0x10100;
	s18 =	rddreg [dreg:$0x7]  }
0x7b: {  	[tilespmem:s8], [sflag:$0x5] =	stream.indirect_vreg.gather [hbm4b:s28+s5], $0x80, v5, vm0, $0xb8;
	[tilespmem:$0x15100] =	vst v63  }
0x7c: {  	s16 =	simm.s32 $0x10900;
	[dreg:$0xb] =	wrdreg s18;
	s23 =	simm.s32 $0x470  }
0x7d: {  	[tilespmem:s16], [sflag:$0x5] =	stream.indirect_vreg.gather [hbm4b:s25+s5], $0x80, v5, vm0, $0xb8;
	[tilespmem:$0x15100] =	vst v63  }
0x7e: {  	s24 =	simm.s32 $0x40;
	s8 =	smov.u32 s26;
	s16 =	simm.s32 $0x0  }
.LBB2_2:
0x7f: {  	v5 =	vld [tilespmem:s24+$0xFFFFFFC0];
	_ =	sdelay $0x4  }
0x80: {  	vm1 =	vgt.s32 v5, $0xC34F  }
0x81: {  	v6 =	vsel vm1, $0x1, v4  }
0x82: {  	(xrf0) =	vadd.scan.msk.s32 $0xffff, v6;
	_ =	sdelay $0x5  }
0x83: {  	v6, _, _ =	vpop (xrf0)  }
0x84: {  	(v2sf) =	vpush v6, $0xF;
	_ =	sdelay $0x4  }
0x85: {  	v7 =	vmov s16  }
0x86: {  	v7 =	vadd.s32 $0xFFFFFFFF, v7  }
0x87: {  	v7 =	vbroadcast v7, $0x0;
	_ =	sdelay $0x1  }
0x88: {  	v6 =	vadd.s32 v6, v7;
	_ =	sdelay $0x1  }
0x89: {  	s0 =	rddreg [dreg:$0xb];
	v5 =	vadd.s32 $0xFFFF3CB0, v5  }
0x8a: {  	s18 =	sadd.s32 $0xFFFFFFD0, s0;
	vm2 =	vgt.s32 v5, $0x0  }
0x8b: {  	s2 =	simm.s32 $0x800;
	v5 =	vnsel vm2, $0x0, v5;
	v7 =	vor.u32 s18, v0  }
0x8c: {  	p0 =	seq.s32 s29, $0x1E000;
	s7 =	simm.s32 $0xC80;
	v5 =	vmin.u32 v5, $0x63;
	[tilespmem:v6+s2+$0x0] =	vst.idx.msk vm1, v7  }
0x8d: {  	[dreg:$0xa] =	wrdreg s29;
	s18 =	simm.s32 @p0 $0x2;
	[tilespmem:v6+s7+$0x0] =	vst.idx.msk vm1, v5;
	s1 =	spop (v2sf)  }
0x8e: {  	s4 =	smov.u32 s0;
	_ =	swait.ge @p0 [sflag:s18], $0x4000  }
0x8f: {  	s7 =	simm.s32 @p0 $0x0;
	[sflag:s18] =	ssyncset.done @p0 $0x0;
	s0 =	rddreg [dreg:$0x8]  }
0x90: {  	[sflag:s18] =	ssyncadd.s32 @p0 $0xFFFFC000;
	s2 =	sadd.s32 @p0 s29, s0;
	s18 =	simm.s32 @p0 $0x1100  }
0x91: {  	[hbm4b:s2+s7] =	stream.linear.scatter @p0 [tilespmem:s18], [sflag:$0x6], $0x4000, $0x38;
	[tilespmem:$0x15100] =	vst v63  }
0x92: {  	v5 =	vld @!p0 [tilespmem:s24+$0x0];
	_ =	sdelay $0x4  }
0x93: {  	vm1 =	vgt.s32 @!p0 v5, $0xC34F;
	v6 =	vadd.s32 @!p0 $0xFFFF3CB0, v5  }
0x94: {  	v5 =	vsel @!p0 vm1, v6, v5  }
0x95: {  	s18 =	simm.s32 @!p0 $0x2;
	[tilespmem:s23+$0xFFFFFFD0] =	vst @!p0 v5  }
0x96: {  	s26 =	simm.s32 @!p0 $0x6;
	_ =	swait.ge @!p0 [sflag:s18], $0x4000  }
0x97: {  	s0 =	sadd.s32 @!p0 s29, s0;
	s29 =	simm.s32 @!p0 $0x0;
	[sflag:s18] =	ssyncset.done @!p0 $0x0  }
0x98: {  	s7 =	simm.s32 @!p0 $0x1100;
	[dreg:$0xc] =	wrdreg s0;
	[sflag:s18] =	ssyncadd.s32 @!p0 $0xFFFFC000  }
0x99: {  	[hbm4b:s0+s29] =	stream.linear.scatter @!p0 [tilespmem:s7], [sflag:$0x6], $0x4000, $0x38;
	[tilespmem:$0x15100] =	vst v63  }
0x9a: {  	_ =	swait.ge @!p0 [sflag:s26], $0x4000  }
0x9b: {  	[sflag:s26] =	ssyncset.done @!p0 $0x0  }
0x9c: {  	[sflag:s26] =	ssyncadd.s32 @!p0 $0xFFFFC000  }
0x9d: {  	v5 =	vld @!p0 [tilespmem:s23+$0xFFFFFFD0];
	_ =	sdelay $0x4  }
0x9e: {  	v6 =	vshll.u32 @!p0 v5, $0x3  }
0x9f: {  	v7 =	vlaneseq.u32 @!p0;
	v5 =	vand.u32 @!p0 $0x7, v5;
	v6 =	vand.u32 @!p0 $0xFFFFFFC0, v6  }
0xa0: {  	v8 =	vor.u32 @!p0 v5, v6;
	v6 =	vand.u32 @!p0 $0x7, v7;
	v5 =	vshrl.u32 @!p0 v7, $0x3  }
0xa1: {  	v9 =	vperm.xlane @!p0 v8, v6;
	v5 =	vmul.u32 @!p0 $0x8, v5;
	_ =	sdelay $0x1  }
0xa2: {  	v9 =	vadd.s32 @!p0 v5, v9;
	_ =	sdelay $0x3  }
0xa3: {  	vm1 =	vmmov @!p0 $0xffff  }
0xa4: {  	v7 =	vor.u32 @!p0 $0x8, v7;
	[tilespmem:s7], [sflag:$0x2] =	stream.indirect_vreg.gather @!p0 [hbm4b:s8+s29], $0x80, v9, vm1, $0xb8;
	[tilespmem:$0x15100] =	vst v63  }
0xa5: {  	v8 =	vperm.xlane @!p0 v8, v7;
	s7 =	simm.s32 @!p0 $0x1900  }
0xa6: {  	[tilespmem:s7], [sflag:$0x2] =	stream.indirect_vreg.gather @!p0 [hbm4b:s9+s29], $0x80, v9, vm1, $0xb8;
	[tilespmem:$0x15100] =	vst v63  }
0xa7: {  	v8 =	vadd.s32 @!p0 v5, v8;
	s7 =	simm.s32 @!p0 $0x2100  }
0xa8: {  	[tilespmem:s7], [sflag:$0x2] =	stream.indirect_vreg.gather @!p0 [hbm4b:s28+s29], $0x80, v9, vm1, $0xb8;
	[tilespmem:$0x15100] =	vst v63  }
0xa9: {  	s7 =	simm.s32 @!p0 $0x2900  }
0xaa: {  	[tilespmem:s7], [sflag:$0x2] =	stream.indirect_vreg.gather @!p0 [hbm4b:s25+s29], $0x80, v9, vm1, $0xb8;
	[tilespmem:$0x15100] =	vst v63  }
0xab: {  	s7 =	simm.s32 @!p0 $0x3100  }
0xac: {  	[tilespmem:s7], [sflag:$0x2] =	stream.indirect_vreg.gather @!p0 [hbm4b:s8+s29], $0x80, v8, vm1, $0xb8;
	[tilespmem:$0x15100] =	vst v63  }
0xad: {  	s7 =	simm.s32 @!p0 $0x3900  }
0xae: {  	[tilespmem:s7], [sflag:$0x2] =	stream.indirect_vreg.gather @!p0 [hbm4b:s9+s29], $0x80, v8, vm1, $0xb8;
	[tilespmem:$0x15100] =	vst v63  }
0xaf: {  	s7 =	simm.s32 @!p0 $0x4100  }
0xb0: {  	[tilespmem:s7], [sflag:$0x2] =	stream.indirect_vreg.gather @!p0 [hbm4b:s28+s29], $0x80, v8, vm1, $0xb8;
	[tilespmem:$0x15100] =	vst v63  }
0xb1: {  	s7 =	simm.s32 @!p0 $0x4900  }
0xb2: {  	[tilespmem:s7], [sflag:$0x2] =	stream.indirect_vreg.gather @!p0 [hbm4b:s25+s29], $0x80, v8, vm1, $0xb8;
	[tilespmem:$0x15100] =	vst v63  }
0xb3: {  	v8 =	vld [tilespmem:s24+$0xFFFFFFD0];
	_ =	sdelay $0x4  }
0xb4: {  	vm2 =	vgt.s32 v8, $0xC34F  }
0xb5: {  	v59 =	vsel vm2, $0x1, v4  }
0xb6: {  	(xrf0) =	vadd.scan.msk.s32 $0xffff, v59;
	_ =	sdelay $0x5  }
0xb7: {  	v9, _, _ =	vpop (xrf0)  }
0xb8: {  	(v2sf) =	vpush v9, $0xF;
	_ =	sdelay $0x3  }
0xb9: {  	s16 =	sadd.s32 s16, s1  }
0xba: {  	v10 =	vmov s16  }
0xbb: {  	v10 =	vadd.s32 $0xFFFFFFFF, v10  }
0xbc: {  	v10 =	vbroadcast v10, $0x0;
	_ =	sdelay $0x1  }
0xbd: {  	v9 =	vadd.s32 v9, v10;
	_ =	sdelay $0x1  }
0xbe: {  	v8 =	vadd.s32 $0xFFFF3CB0, v8  }
0xbf: {  	s18 =	sadd.s32 $0xFFFFFFE0, s4;
	vm3 =	vgt.s32 v8, $0x0  }
0xc0: {  	v60 =	vor.u32 s18, v0;
	s26 =	simm.s32 $0x800;
	v8 =	vnsel vm3, $0x0, v8  }
0xc1: {  	s0 =	smov.u32 s4;
	s4 =	simm.s32 $0xC80;
	v8 =	vmin.u32 v8, $0x63;
	[tilespmem:v9+s26+$0x0] =	vst.idx.msk vm2, v60  }
0xc2: {  	s7 =	simm.s32 @p0 $0x3;
	[tilespmem:v9+s4+$0x0] =	vst.idx.msk vm2, v8;
	s1 =	spop (v2sf)  }
0xc3: {  	_ =	swait.ge @p0 [sflag:s7], $0x4000  }
0xc4: {  	s18 =	simm.s32 @p0 $0x0;
	[sflag:s7] =	ssyncset.done @p0 $0x0  }
0xc5: {  	s26 =	simm.s32 @p0 $0x5100;
	[sflag:s7] =	ssyncadd.s32 @p0 $0xFFFFC000;
	s7 =	sadd.s32 @p0 $0x800, s2  }
0xc6: {  	[hbm4b:s7+s18] =	stream.linear.scatter @p0 [tilespmem:s26], [sflag:$0x7], $0x4000, $0x38;
	[tilespmem:$0x15100] =	vst v63  }
0xc7: {  	v8 =	vld @!p0 [tilespmem:s24+$0x10];
	_ =	sdelay $0x4  }
0xc8: {  	vm2 =	vgt.s32 @!p0 v8, $0xC34F;
	v9 =	vadd.s32 @!p0 $0xFFFF3CB0, v8  }
0xc9: {  	v8 =	vsel @!p0 vm2, v9, v8  }
0xca: {  	s7 =	simm.s32 @!p0 $0x3;
	[tilespmem:s23+$0xFFFFFFE0] =	vst @!p0 v8  }
0xcb: {  	_ =	swait.ge @!p0 [sflag:s7], $0x4000  }
0xcc: {  	[sflag:s7] =	ssyncset.done @!p0 $0x0;
	s4 =	rddreg [dreg:$0xc]  }
0xcd: {  	s26 =	simm.s32 @!p0 $0x5100;
	[sflag:s7] =	ssyncadd.s32 @!p0 $0xFFFFC000;
	s7 =	sadd.s32 @!p0 $0x800, s4  }
0xce: {  	[hbm4b:s7+s29] =	stream.linear.scatter @!p0 [tilespmem:s26], [sflag:$0x7], $0x4000, $0x38;
	[tilespmem:$0x15100] =	vst v63  }
0xcf: {  	s7 =	simm.s32 @!p0 $0x7  }
0xd0: {  	_ =	swait.ge @!p0 [sflag:s7], $0x4000  }
0xd1: {  	[sflag:s7] =	ssyncset.done @!p0 $0x0  }
0xd2: {  	[sflag:s7] =	ssyncadd.s32 @!p0 $0xFFFFC000  }
0xd3: {  	v8 =	vld @!p0 [tilespmem:s23+$0xFFFFFFE0];
	_ =	sdelay $0x4  }
0xd4: {  	v9 =	vshll.u32 @!p0 v8, $0x3  }
0xd5: {  	v8 =	vand.u32 @!p0 $0x7, v8;
	v9 =	vand.u32 @!p0 $0xFFFFFFC0, v9  }
0xd6: {  	v8 =	vor.u32 @!p0 v8, v9  }
0xd7: {  	v9 =	vperm.xlane @!p0 v8, v6;
	_ =	sdelay $0x1  }
0xd8: {  	v9 =	vadd.s32 @!p0 v5, v9;
	_ =	sdelay $0x4  }
0xd9: {  	[tilespmem:s26], [sflag:$0x3] =	stream.indirect_vreg.gather @!p0 [hbm4b:s8+s29], $0x80, v9, vm1, $0xb8;
	[tilespmem:$0x15100] =	vst v63  }
0xda: {  	s7 =	simm.s32 @!p0 $0x5900;
	v8 =	vperm.xlane @!p0 v8, v7  }
0xdb: {  	[tilespmem:s7], [sflag:$0x3] =	stream.indirect_vreg.gather @!p0 [hbm4b:s9+s29], $0x80, v9, vm1, $0xb8;
	[tilespmem:$0x15100] =	vst v63  }
0xdc: {  	v8 =	vadd.s32 @!p0 v5, v8;
	s7 =	simm.s32 @!p0 $0x6100  }
0xdd: {  	[tilespmem:s7], [sflag:$0x3] =	stream.indirect_vreg.gather @!p0 [hbm4b:s28+s29], $0x80, v9, vm1, $0xb8;
	[tilespmem:$0x15100] =	vst v63  }
0xde: {  	s7 =	simm.s32 @!p0 $0x6900  }
0xdf: {  	[tilespmem:s7], [sflag:$0x3] =	stream.indirect_vreg.gather @!p0 [hbm4b:s25+s29], $0x80, v9, vm1, $0xb8;
	[tilespmem:$0x15100] =	vst v63  }
0xe0: {  	s7 =	simm.s32 @!p0 $0x7100  }
0xe1: {  	[tilespmem:s7], [sflag:$0x3] =	stream.indirect_vreg.gather @!p0 [hbm4b:s8+s29], $0x80, v8, vm1, $0xb8;
	[tilespmem:$0x15100] =	vst v63  }
0xe2: {  	s7 =	simm.s32 @!p0 $0x7900  }
0xe3: {  	[tilespmem:s7], [sflag:$0x3] =	stream.indirect_vreg.gather @!p0 [hbm4b:s9+s29], $0x80, v8, vm1, $0xb8;
	[tilespmem:$0x15100] =	vst v63  }
0xe4: {  	s7 =	simm.s32 @!p0 $0x8100  }
0xe5: {  	[tilespmem:s7], [sflag:$0x3] =	stream.indirect_vreg.gather @!p0 [hbm4b:s28+s29], $0x80, v8, vm1, $0xb8;
	[tilespmem:$0x15100] =	vst v63  }
0xe6: {  	s7 =	simm.s32 @!p0 $0x8900  }
0xe7: {  	[tilespmem:s7], [sflag:$0x3] =	stream.indirect_vreg.gather @!p0 [hbm4b:s25+s29], $0x80, v8, vm1, $0xb8;
	[tilespmem:$0x15100] =	vst v63  }
0xe8: {  	v8 =	vld [tilespmem:s24+$0xFFFFFFE0];
	_ =	sdelay $0x4  }
0xe9: {  	vm2 =	vgt.s32 v8, $0xC34F  }
0xea: {  	v61 =	vsel vm2, $0x1, v4  }
0xeb: {  	(xrf0) =	vadd.scan.msk.s32 $0xffff, v61;
	_ =	sdelay $0x5  }
0xec: {  	v9, _, _ =	vpop (xrf0)  }
0xed: {  	(v2sf) =	vpush v9, $0xF;
	_ =	sdelay $0x3  }
0xee: {  	s16 =	sadd.s32 s16, s1  }
0xef: {  	v62 =	vmov s16  }
0xf0: {  	v10 =	vadd.s32 $0xFFFFFFFF, v62  }
0xf1: {  	v10 =	vbroadcast v10, $0x0;
	_ =	sdelay $0x1  }
0xf2: {  	v9 =	vadd.s32 v9, v10;
	_ =	sdelay $0x1  }
0xf3: {  	v8 =	vadd.s32 $0xFFFF3CB0, v8  }
0xf4: {  	s7 =	sadd.s32 $0xFFFFFFF0, s0;
	vm3 =	vgt.s32 v8, $0x0  }
0xf5: {  	s18 =	simm.s32 $0x800;
	v63 =	vor.u32 s7, v0;
	v8 =	vnsel vm3, $0x0, v8  }
0xf6: {  	s26 =	simm.s32 $0xC80;
	v8 =	vmin.u32 v8, $0x63;
	[tilespmem:v9+s18+$0x0] =	vst.idx.msk vm2, v63  }
0xf7: {  	s7 =	simm.s32 @p0 $0x4;
	[tilespmem:v9+s26+$0x0] =	vst.idx.msk vm2, v8;
	s1 =	spop (v2sf)  }
0xf8: {  	_ =	swait.ge @p0 [sflag:s7], $0x4000  }
0xf9: {  	s18 =	simm.s32 @p0 $0x0;
	[sflag:s7] =	ssyncset.done @p0 $0x0  }
0xfa: {  	s26 =	simm.s32 @p0 $0x9100;
	[sflag:s7] =	ssyncadd.s32 @p0 $0xFFFFC000;
	s7 =	sadd.s32 @p0 $0x1000, s2  }
0xfb: {  	[hbm4b:s7+s18] =	stream.linear.scatter @p0 [tilespmem:s26], [sflag:$0x8], $0x4000, $0x38;
	[tilespmem:$0x15100] =	vst v63  }
0xfc: {  	v8 =	vld @!p0 [tilespmem:s24+$0x20];
	_ =	sdelay $0x4  }
0xfd: {  	vm2 =	vgt.s32 @!p0 v8, $0xC34F;
	v9 =	vadd.s32 @!p0 $0xFFFF3CB0, v8  }
0xfe: {  	v8 =	vsel @!p0 vm2, v9, v8  }
0xff: {  	s7 =	simm.s32 @!p0 $0x4;
	[tilespmem:s23+$0xFFFFFFF0] =	vst @!p0 v8  }
0x100: {  	_ =	swait.ge @!p0 [sflag:s7], $0x4000  }
0x101: {  	[sflag:s7] =	ssyncset.done @!p0 $0x0  }
0x102: {  	s18 =	simm.s32 @!p0 $0x9100;
	[sflag:s7] =	ssyncadd.s32 @!p0 $0xFFFFC000;
	s7 =	sadd.s32 @!p0 $0x1000, s4  }
0x103: {  	[hbm4b:s7+s29] =	stream.linear.scatter @!p0 [tilespmem:s18], [sflag:$0x8], $0x4000, $0x38;
	[tilespmem:$0x15100] =	vst v63  }
0x104: {  	s7 =	simm.s32 @!p0 $0x8  }
0x105: {  	_ =	swait.ge @!p0 [sflag:s7], $0x4000  }
0x106: {  	[sflag:s7] =	ssyncset.done @!p0 $0x0  }
0x107: {  	[sflag:s7] =	ssyncadd.s32 @!p0 $0xFFFFC000  }
0x108: {  	v8 =	vld @!p0 [tilespmem:s23+$0xFFFFFFF0];
	_ =	sdelay $0x4  }
0x109: {  	v9 =	vshll.u32 @!p0 v8, $0x3  }
0x10a: {  	v8 =	vand.u32 @!p0 $0x7, v8;
	v9 =	vand.u32 @!p0 $0xFFFFFFC0, v9  }
0x10b: {  	v8 =	vor.u32 @!p0 v8, v9  }
0x10c: {  	v6 =	vperm.xlane @!p0 v8, v6;
	_ =	sdelay $0x1  }
0x10d: {  	v6 =	vadd.s32 @!p0 v5, v6;
	_ =	sdelay $0x4  }
0x10e: {  	[tilespmem:s18], [sflag:$0x4] =	stream.indirect_vreg.gather @!p0 [hbm4b:s8+s29], $0x80, v6, vm1, $0xb8;
	[tilespmem:$0x15100] =	vst v63  }
0x10f: {  	s7 =	simm.s32 @!p0 $0x9900;
	v7 =	vperm.xlane @!p0 v8, v7  }
0x110: {  	[tilespmem:s7], [sflag:$0x4] =	stream.indirect_vreg.gather @!p0 [hbm4b:s9+s29], $0x80, v6, vm1, $0xb8;
	[tilespmem:$0x15100] =	vst v63  }
0x111: {  	v5 =	vadd.s32 @!p0 v5, v7;
	s7 =	simm.s32 @!p0 $0xA100  }
0x112: {  	[tilespmem:s7], [sflag:$0x4] =	stream.indirect_vreg.gather @!p0 [hbm4b:s28+s29], $0x80, v6, vm1, $0xb8;
	[tilespmem:$0x15100] =	vst v63  }
0x113: {  	s7 =	simm.s32 @!p0 $0xA900  }
0x114: {  	[tilespmem:s7], [sflag:$0x4] =	stream.indirect_vreg.gather @!p0 [hbm4b:s25+s29], $0x80, v6, vm1, $0xb8;
	[tilespmem:$0x15100] =	vst v63  }
0x115: {  	s7 =	simm.s32 @!p0 $0xB100  }
0x116: {  	[tilespmem:s7], [sflag:$0x4] =	stream.indirect_vreg.gather @!p0 [hbm4b:s8+s29], $0x80, v5, vm1, $0xb8;
	[tilespmem:$0x15100] =	vst v63  }
0x117: {  	s7 =	simm.s32 @!p0 $0xB900  }
0x118: {  	[tilespmem:s7], [sflag:$0x4] =	stream.indirect_vreg.gather @!p0 [hbm4b:s9+s29], $0x80, v5, vm1, $0xb8;
	[tilespmem:$0x15100] =	vst v63  }
0x119: {  	s7 =	simm.s32 @!p0 $0xC100  }
0x11a: {  	[tilespmem:s7], [sflag:$0x4] =	stream.indirect_vreg.gather @!p0 [hbm4b:s28+s29], $0x80, v5, vm1, $0xb8;
	[tilespmem:$0x15100] =	vst v63  }
0x11b: {  	s7 =	simm.s32 @!p0 $0xC900  }
0x11c: {  	[tilespmem:s7], [sflag:$0x4] =	stream.indirect_vreg.gather @!p0 [hbm4b:s25+s29], $0x80, v5, vm1, $0xb8;
	[tilespmem:$0x15100] =	vst v63  }
0x11d: {  	v5 =	vld [tilespmem:s24+$0xFFFFFFF0];
	_ =	sdelay $0x4  }
0x11e: {  	vm1 =	vgt.s32 v5, $0xC34F  }
0x11f: {  	v6 =	vsel vm1, $0x1, v4  }
0x120: {  	(xrf0) =	vadd.scan.msk.s32 $0xffff, v6;
	_ =	sdelay $0x5  }
0x121: {  	v6, _, _ =	vpop (xrf0)  }
0x122: {  	(v2sf) =	vpush v6, $0xF;
	_ =	sdelay $0x4  }
0x123: {  	s1 =	sadd.s32 s16, s1  }
0x124: {  	v7 =	vmov s1  }
0x125: {  	v7 =	vadd.s32 $0xFFFFFFFF, v7  }
0x126: {  	v7 =	vbroadcast v7, $0x0;
	_ =	sdelay $0x1  }
0x127: {  	v6 =	vadd.s32 v6, v7;
	_ =	sdelay $0x1  }
.Ltmp2:
0x128: {  	v5 =	vadd.s32 $0xFFFF3CB0, v5;
	(pc) =	sbr.rel @p0 .LBB2_4-.Ltmp2, $4  }
0x129: {  	vm2 =	vgt.s32 v5, $0x0  }
0x12a: {  	s26 =	rddreg [dreg:$0x8];
	s7 =	simm.s32 $0x800;
	v5 =	vnsel vm2, $0x0, v5;
	v7 =	vor.u32 s0, v0  }
0x12b: {  	s18 =	simm.s32 $0xC80;
	s29 =	rddreg [dreg:$0xa];
	v5 =	vmin.u32 v5, $0x63;
	[tilespmem:v6+s7+$0x0] =	vst.idx.msk vm1, v7;
	s16 =	spop (v2sf)  }
0x12c: {  	[tilespmem:v6+s18+$0x0] =	vst.idx.msk vm1, v5;
	s18 =	sadd.s32 s29, s26;
	s26 =	smov.u32 s8;
	s16 =	sadd.s32 s1, s16  }
0x12d: {  	v5 =	vld [tilespmem:s24+$0x30];
	_ =	sdelay $0x4  }
0x12e: {  	vm1 =	vgt.s32 v5, $0xC34F;
	v6 =	vadd.s32 $0xFFFF3CB0, v5  }
0x12f: {  	v5 =	vsel vm1, v6, v5  }
0x130: {  	s0 =	simm.s32 $0x5;
	[tilespmem:s23+$0x0] =	vst v5  }
0x131: {  	_ =	swait.ge [sflag:s0], $0x4000  }
0x132: {  	s1 =	sadd.s32 $0x1800, s18;
	[sflag:s0] =	ssyncset.done $0x0  }
0x133: {  	s4 =	simm.s32 $0xD100;
	s7 =	simm.s32 $0x9;
	[sflag:s0] =	ssyncadd.s32 $0xFFFFC000  }
0x134: {  	[hbm4b:s1+s5] =	stream.linear.scatter [tilespmem:s4], [sflag:$0x9], $0x4000, $0x38;
	[tilespmem:$0x15100] =	vst v63  }
0x135: {  	_ =	swait.ge [sflag:s7], $0x4000  }
0x136: {  	[sflag:s7] =	ssyncset.done $0x0  }
0x137: {  	[sflag:s7] =	ssyncadd.s32 $0xFFFFC000  }
0x138: {  	v5 =	vld [tilespmem:s23+$0x0];
	_ =	sdelay $0x4  }
0x139: {  	v6 =	vshll.u32 v5, $0x3  }
0x13a: {  	v5 =	vand.u32 $0x7, v5;
	v6 =	vand.u32 $0xFFFFFFC0, v6  }
0x13b: {  	v5 =	vor.u32 v5, v6  }
0x13c: {  	v6 =	vperm.xlane v5, v1;
	_ =	sdelay $0x1  }
0x13d: {  	v6 =	vadd.s32 v2, v6;
	_ =	sdelay $0x4  }
0x13e: {  	[tilespmem:s4], [sflag:$0x5] =	stream.indirect_vreg.gather [hbm4b:s26+s5], $0x80, v6, vm0, $0xb8;
	[tilespmem:$0x15100] =	vst v63  }
0x13f: {  	s8 =	simm.s32 $0xD900;
	v5 =	vperm.xlane v5, v3  }
0x140: {  	[tilespmem:s8], [sflag:$0x5] =	stream.indirect_vreg.gather [hbm4b:s9+s5], $0x80, v6, vm0, $0xb8;
	[tilespmem:$0x15100] =	vst v63  }
0x141: {  	s18 =	simm.s32 $0xE100;
	v5 =	vadd.s32 v2, v5  }
0x142: {  	[tilespmem:s18], [sflag:$0x5] =	stream.indirect_vreg.gather [hbm4b:s28+s5], $0x80, v6, vm0, $0xb8;
	[tilespmem:$0x15100] =	vst v63  }
0x143: {  	s1 =	simm.s32 $0xE900  }
0x144: {  	[tilespmem:s1], [sflag:$0x5] =	stream.indirect_vreg.gather [hbm4b:s25+s5], $0x80, v6, vm0, $0xb8;
	[tilespmem:$0x15100] =	vst v63  }
0x145: {  	s2 =	simm.s32 $0xF100  }
0x146: {  	[tilespmem:s2], [sflag:$0x5] =	stream.indirect_vreg.gather [hbm4b:s26+s5], $0x80, v5, vm0, $0xb8;
	[tilespmem:$0x15100] =	vst v63  }
0x147: {  	s29 =	sadd.s32 $0x2000, s29;
	s4 =	simm.s32 $0xF900  }
0x148: {  	[tilespmem:s4], [sflag:$0x5] =	stream.indirect_vreg.gather [hbm4b:s9+s5], $0x80, v5, vm0, $0xb8;
	[tilespmem:$0x15100] =	vst v63  }
.Ltmp3:
0x149: {  	s7 =	simm.s32 $0x10100;
	s18 =	rddreg [dreg:$0xb];
	(pc) =	sbr.rel .LBB2_2-.Ltmp3, $4  }
0x14a: {  	[tilespmem:s7], [sflag:$0x5] =	stream.indirect_vreg.gather [hbm4b:s28+s5], $0x80, v5, vm0, $0xb8;
	[tilespmem:$0x15100] =	vst v63  }
0x14b: {  	s24 =	sadd.s32 $0x40, s24;
	s8 =	simm.s32 $0x10900;
	s0 =	sadd.s32 $0x40, s18  }
0x14c: {  	[tilespmem:s8], [sflag:$0x5] =	stream.indirect_vreg.gather [hbm4b:s25+s5], $0x80, v5, vm0, $0xb8;
	[tilespmem:$0x15100] =	vst v63  }
0x14d: {  	s23 =	sadd.s32 $0x40, s23;
	[dreg:$0xb] =	wrdreg s0;
	s8 =	smov.u32 s26  }
.LBB2_4:
0x14e: {  	s0 =	simm.s32 $0x5  }
0x14f: {  	_ =	swait.ge [sflag:s0], $0x4000  }
0x150: {  	s8 =	sadd.s32 $0x1800, s18;
	[sflag:s0] =	ssyncset.done $0x0  }
0x151: {  	s1 =	simm.s32 $0xD100;
	s18 =	simm.s32 $0x6;
	[sflag:s0] =	ssyncadd.s32 $0xFFFFC000  }
0x152: {  	[hbm4b:s8+s5] =	stream.linear.scatter [tilespmem:s1], [sflag:$0x9], $0x4000, $0x38;
	[tilespmem:$0x15100] =	vst v63  }
0x153: {  	_ =	swait.ge [sflag:s18], $0x4000  }
0x154: {  	[sflag:s18] =	ssyncset.done $0x0  }
0x155: {  	s23 =	simm.s32 $0x7;
	[sflag:s18] =	ssyncadd.s32 $0xFFFFC000  }
0x156: {  	_ =	swait.ge [sflag:s23], $0x4000  }
0x157: {  	[sflag:s23] =	ssyncset.done $0x0  }
0x158: {  	s24 =	simm.s32 $0x8;
	[sflag:s23] =	ssyncadd.s32 $0xFFFFC000  }
0x159: {  	_ =	swait.ge [sflag:s24], $0x4000  }
0x15a: {  	[sflag:s24] =	ssyncset.done $0x0  }
0x15b: {  	s29 =	simm.s32 $0x9;
	[sflag:s24] =	ssyncadd.s32 $0xFFFFC000  }
0x15c: {  	_ =	swait.ge [sflag:s29], $0x4000  }
0x15d: {  	[sflag:s29] =	ssyncset.done $0x0  }
0x15e: {  	p0 =	slt.s32 s16, $0x1;
	[sflag:s29] =	ssyncadd.s32 $0xFFFFC000  }
0x15f: {  	v5 =	vld @!p0 [tilespmem:$0x800]  }
0x160: {  	v6 =	vld @!p0 [tilespmem:$0xC80]  }
0x161: {  	s0 =	sadd.s32 @!p0 $0xF, s16  }
0x162: {  	s1 =	sand.u32 @!p0 $0xF, s0  }
0x163: {  	vm1 =	vmmov @!p0 $0x1;
	p1 =	slt.s32 @!p0 s0, $0x0;
	p2 =	sne.s32 @!p0 s1, $0x0  }
0x164: {  	s1 =	sshra.s32 @!p0 s0, $0x1F;
	p1 =	por @!p0 !p1, !p2;
	v5 =	vnsel @!p0 vm1, $0x0, v5  }
0x165: {  	s1 =	sshrl.u32 @!p0 s1, $0x1C;
	p1 =	por @!p0 !p1, !p1;
	(xrf0) =	vadd.scan.msk.s32 @!p0 $0xffff, v5;
	v5 =	vnsel @!p0 vm1, $0x0, v6  }
0x166: {  	s0 =	sadd.s32 @!p0 s1, s0;
	s1 =	simm.s32 @!p0 $0x1;
	p1 =	por !p1, p0;
	(xrf0) =	vadd.scan.msk.s32 @!p0 $0xffff, v5  }
0x167: {  	s0 =	sshra.s32 @!p0 s0, $0x4;
	s1 =	simm.s32 @p1 $0x0  }
0x168: {  	s18 =	ssub.s32 @!p0 s0, s1;
	v5 =	vlaneseq.u32 @!p0  }
0x169: {  	p1 =	slt.s32 @!p0 s18, $0x1;
	v5 =	vadd.s32 @!p0 s16, v5  }
0x16a: {  	p1 =	por p0, p1  }
.Ltmp4:
0x16b: {  	v6, _, _ =	vpop @!p0 (xrf0);
	(pc) =	sbr.rel @p1 .LBB2_8-.Ltmp4, $4  }
0x16c: {  	v7, _, _ =	vpop @!p0 (xrf0);
	v6 =	vbroadcast @!p0 v6, $0xF  }
0x16d: {  	s0 =	simm.s32 @!p0 $0x800;
	s1 =	rddreg [dreg:$0x9];
	v7 =	vbroadcast @!p0 v7, $0xF  }
0x16e: {  	s2 =	rddreg [dreg:$0x2];
	s16 =	simm.s32 @!p0 $0xC80;
	[tilespmem:v5+s0+$0x0] =	vst.idx.msk @!p0 $0xffff, v6  }
0x16f: {  	s4 =	rddreg [dreg:$0x3];
	[tilespmem:v5+s16+$0x0] =	vst.idx.msk @!p0 $0xffff, v7  }
0x170: {  	v5 =	vld [tilespmem:s16+$0x0];
	_ =	sdelay $0x4  }
0x171: {  	v6 =	vshll.u32 v5, $0x3  }
0x172: {  	v5 =	vand.u32 $0x7, v5;
	v6 =	vand.u32 $0xFFFFFFC0, v6  }
0x173: {  	v5 =	vor.u32 v5, v6  }
0x174: {  	v6 =	vperm.xlane v5, v1;
	_ =	sdelay $0x1  }
0x175: {  	v6 =	vadd.s32 v2, v6;
	_ =	sdelay $0x4  }
0x176: {  	v7 =	vld [tilespmem:s0+$0x0];
	[tilespmem:s17], [sflag:$0x1] =	stream.indirect_vreg.gather [hbm4b:s2+s5], $0x80, v6, vm0, $0xb8  }
0x177: {  	v5 =	vperm.xlane v5, v3  }
0x178: {  	[tilespmem:s19], [sflag:$0x1] =	stream.indirect_vreg.gather [hbm4b:s10+s5], $0x80, v6, vm0, $0xb8;
	[tilespmem:$0x15100] =	vst v63  }
0x179: {  	v5 =	vadd.s32 v2, v5  }
0x17a: {  	[tilespmem:s30], [sflag:$0x1] =	stream.indirect_vreg.gather [hbm4b:s11+s5], $0x80, v6, vm0, $0xb8;
	[tilespmem:$0x15100] =	vst v63  }
0x17b: {  	_ = 	snop  }
0x17c: {  	[tilespmem:s31], [sflag:$0x1] =	stream.indirect_vreg.gather [hbm4b:s12+s5], $0x80, v6, vm0, $0xb8;
	[tilespmem:$0x15100] =	vst v63  }
0x17d: {  	_ = 	snop  }
0x17e: {  	v6 =	vshll.u32 v7, $0x3;
	[tilespmem:s6], [sflag:$0x1] =	stream.indirect_vreg.gather [hbm4b:s2+s5], $0x80, v5, vm0, $0xb8;
	[tilespmem:$0x15100] =	vst v63  }
0x17f: {  	v7 =	vand.u32 $0x7, v7;
	v6 =	vand.u32 $0xFFFFFFC0, v6  }
0x180: {  	v6 =	vor.u32 v7, v6;
	[tilespmem:s3], [sflag:$0x1] =	stream.indirect_vreg.gather [hbm4b:s10+s5], $0x80, v5, vm0, $0xb8;
	[tilespmem:$0x15100] =	vst v63  }
0x181: {  	v7 =	vperm.xlane v6, v1  }
0x182: {  	[tilespmem:s20], [sflag:$0x1] =	stream.indirect_vreg.gather [hbm4b:s11+s5], $0x80, v5, vm0, $0xb8;
	[tilespmem:$0x15100] =	vst v63  }
0x183: {  	v7 =	vadd.s32 v2, v7  }
0x184: {  	[tilespmem:s21], [sflag:$0x1] =	stream.indirect_vreg.gather [hbm4b:s12+s5], $0x80, v5, vm0, $0xb8;
	[tilespmem:$0x15100] =	vst v63  }
0x185: {  	_ =	swait.ge [sflag:s22], $0x4000  }
0x186: {  	[sflag:s22] =	ssyncset.done $0x0  }
0x187: {  	[sflag:s22] =	ssyncadd.s32 $0xFFFFC000  }
0x188: {  	[hbm4b:s4+s5] =	stream.indirect_vreg.scatter [tilespmem:s17], [sflag:$0x1], $0x80, v7, vm0, $0xb8;
	[tilespmem:$0x15100] =	vst v63  }
0x189: {  	v5 =	vperm.xlane v6, v3  }
0x18a: {  	[hbm4b:s13+s5] =	stream.indirect_vreg.scatter [tilespmem:s19], [sflag:$0x1], $0x80, v7, vm0, $0xb8;
	[tilespmem:$0x15100] =	vst v63  }
0x18b: {  	v5 =	vadd.s32 v2, v5  }
0x18c: {  	[hbm4b:s14+s5] =	stream.indirect_vreg.scatter [tilespmem:s30], [sflag:$0x1], $0x80, v7, vm0, $0xb8;
	[tilespmem:$0x15100] =	vst v63  }
0x18d: {  	_ = 	snop  }
0x18e: {  	[hbm4b:s15+s5] =	stream.indirect_vreg.scatter [tilespmem:s31], [sflag:$0x1], $0x80, v7, vm0, $0xb8;
	[tilespmem:$0x15100] =	vst v63  }
0x18f: {  	_ = 	snop  }
0x190: {  	[hbm4b:s4+s5] =	stream.indirect_vreg.scatter [tilespmem:s6], [sflag:$0x1], $0x80, v5, vm0, $0xb8;
	[tilespmem:$0x15100] =	vst v63  }
0x191: {  	_ = 	snop  }
0x192: {  	[hbm4b:s13+s5] =	stream.indirect_vreg.scatter [tilespmem:s3], [sflag:$0x1], $0x80, v5, vm0, $0xb8;
	[tilespmem:$0x15100] =	vst v63  }
0x193: {  	p0 =	sne.s32 s18, $0x1  }
0x194: {  	[hbm4b:s14+s5] =	stream.indirect_vreg.scatter [tilespmem:s20], [sflag:$0x1], $0x80, v5, vm0, $0xb8;
	[tilespmem:$0x15100] =	vst v63  }
.Ltmp5:
0x195: {  	_ = 	snop;
	(pc) =	sbr.rel @!p0 .LBB2_7-.Ltmp5, $4  }
0x196: {  	_ = 	snop  }
0x197: {  	[hbm4b:s15+s5] =	stream.indirect_vreg.scatter [tilespmem:s21], [sflag:$0x1], $0x80, v5, vm0, $0xb8;
	[tilespmem:$0x15100] =	vst v63  }
0x198: {  	_ =	swait.ge [sflag:s22], $0x4000  }
0x199: {  	s18 =	sadd.s32 $0xFFFFFFFF, s18;
	[sflag:s22] =	ssyncset.done $0x0  }
.LBB2_6:
0x19a: {  	[sflag:s22] =	ssyncadd.s32 $0xFFFFC000;
	s16 =	sadd.s32 $0x10, s16;
	s0 =	sadd.s32 $0x10, s0  }
0x19b: {  	p0 =	sne.s32 s18, $0x1;
	s18 =	sadd.s32 $0xFFFFFFFF, s18  }
0x19c: {  	v5 =	vld [tilespmem:s16+$0x0];
	_ =	sdelay $0x4  }
0x19d: {  	v6 =	vshll.u32 v5, $0x3  }
0x19e: {  	v5 =	vand.u32 $0x7, v5;
	v6 =	vand.u32 $0xFFFFFFC0, v6  }
0x19f: {  	v5 =	vor.u32 v5, v6  }
0x1a0: {  	v6 =	vperm.xlane v5, v1;
	v5 =	vperm.xlane v5, v3;
	_ =	sdelay $0x1  }
0x1a1: {  	v6 =	vadd.s32 v2, v6;
	_ =	sdelay $0x3  }
0x1a2: {  	v7 =	vld [tilespmem:s0+$0x0]  }
0x1a3: {  	[tilespmem:s17], [sflag:$0x1] =	stream.indirect_vreg.gather [hbm4b:s2+s5], $0x80, v6, vm0, $0xb8;
	[tilespmem:$0x15100] =	vst v63  }
0x1a4: {  	_ = 	snop  }
0x1a5: {  	[tilespmem:s19], [sflag:$0x1] =	stream.indirect_vreg.gather [hbm4b:s10+s5], $0x80, v6, vm0, $0xb8;
	[tilespmem:$0x15100] =	vst v63  }
0x1a6: {  	v5 =	vadd.s32 v2, v5  }
0x1a7: {  	[tilespmem:s30], [sflag:$0x1] =	stream.indirect_vreg.gather [hbm4b:s11+s5], $0x80, v6, vm0, $0xb8;
	v8 =	vshll.u32 v7, $0x3;
	[tilespmem:$0x15100] =	vst v63  }
0x1a8: {  	v7 =	vand.u32 $0x7, v7;
	v8 =	vand.u32 $0xFFFFFFC0, v8  }
0x1a9: {  	[tilespmem:s31], [sflag:$0x1] =	stream.indirect_vreg.gather [hbm4b:s12+s5], $0x80, v6, vm0, $0xb8;
	v6 =	vor.u32 v7, v8;
	[tilespmem:$0x15100] =	vst v63  }
0x1aa: {  	v7 =	vperm.xlane v6, v1;
	v6 =	vperm.xlane v6, v3  }
0x1ab: {  	[tilespmem:s6], [sflag:$0x1] =	stream.indirect_vreg.gather [hbm4b:s2+s5], $0x80, v5, vm0, $0xb8;
	[tilespmem:$0x15100] =	vst v63  }
0x1ac: {  	_ = 	snop  }
0x1ad: {  	[tilespmem:s3], [sflag:$0x1] =	stream.indirect_vreg.gather [hbm4b:s10+s5], $0x80, v5, vm0, $0xb8;
	[tilespmem:$0x15100] =	vst v63  }
0x1ae: {  	_ = 	snop  }
0x1af: {  	[tilespmem:s20], [sflag:$0x1] =	stream.indirect_vreg.gather [hbm4b:s11+s5], $0x80, v5, vm0, $0xb8;
	[tilespmem:$0x15100] =	vst v63  }
0x1b0: {  	v7 =	vadd.s32 v2, v7  }
0x1b1: {  	[tilespmem:s21], [sflag:$0x1] =	stream.indirect_vreg.gather [hbm4b:s12+s5], $0x80, v5, vm0, $0xb8;
	[tilespmem:$0x15100] =	vst v63  }
0x1b2: {  	_ =	swait.ge [sflag:s22], $0x4000  }
0x1b3: {  	[sflag:s22] =	ssyncset.done $0x0  }
0x1b4: {  	[sflag:s22] =	ssyncadd.s32 $0xFFFFC000  }
0x1b5: {  	[hbm4b:s4+s5] =	stream.indirect_vreg.scatter [tilespmem:s17], [sflag:$0x1], $0x80, v7, vm0, $0xb8;
	[tilespmem:$0x15100] =	vst v63  }
0x1b6: {  	_ = 	snop  }
0x1b7: {  	[hbm4b:s13+s5] =	stream.indirect_vreg.scatter [tilespmem:s19], [sflag:$0x1], $0x80, v7, vm0, $0xb8;
	[tilespmem:$0x15100] =	vst v63  }
0x1b8: {  	v5 =	vadd.s32 v2, v6  }
0x1b9: {  	[hbm4b:s14+s5] =	stream.indirect_vreg.scatter [tilespmem:s30], [sflag:$0x1], $0x80, v7, vm0, $0xb8;
	[tilespmem:$0x15100] =	vst v63  }
0x1ba: {  	_ = 	snop  }
0x1bb: {  	[hbm4b:s15+s5] =	stream.indirect_vreg.scatter [tilespmem:s31], [sflag:$0x1], $0x80, v7, vm0, $0xb8;
	[tilespmem:$0x15100] =	vst v63  }
0x1bc: {  	_ = 	snop  }
0x1bd: {  	[hbm4b:s4+s5] =	stream.indirect_vreg.scatter [tilespmem:s6], [sflag:$0x1], $0x80, v5, vm0, $0xb8;
	[tilespmem:$0x15100] =	vst v63  }
0x1be: {  	_ = 	snop  }
0x1bf: {  	[hbm4b:s13+s5] =	stream.indirect_vreg.scatter [tilespmem:s3], [sflag:$0x1], $0x80, v5, vm0, $0xb8;
	[tilespmem:$0x15100] =	vst v63  }
0x1c0: {  	_ = 	snop  }
0x1c1: {  	[hbm4b:s14+s5] =	stream.indirect_vreg.scatter [tilespmem:s20], [sflag:$0x1], $0x80, v5, vm0, $0xb8;
	[tilespmem:$0x15100] =	vst v63  }
.Ltmp6:
0x1c2: {  	_ = 	snop;
	(pc) =	sbr.rel @p0 .LBB2_6-.Ltmp6, $4  }
0x1c3: {  	_ = 	snop  }
0x1c4: {  	[hbm4b:s15+s5] =	stream.indirect_vreg.scatter [tilespmem:s21], [sflag:$0x1], $0x80, v5, vm0, $0xb8;
	[tilespmem:$0x15100] =	vst v63  }
0x1c5: {  	_ =	swait.ge [sflag:s22], $0x4000  }
0x1c6: {  	[sflag:s22] =	ssyncset.done $0x0  }
.Ltmp7:
0x1c7: {  	_ = 	snop;
	(pc) =	sbr.rel .LBB2_7-.Ltmp7, $1  }
0x1c8: {  	_ =	sdelay $0x3  }
.LBB2_9:
0x1c9: {  	_ =	sfence.sel $0x180000  }
0x1ca: {  	[bflag:$0x0] =	sbarrier.arrive $0xFFFF  }
0x1cb: {  	_ =	strace $0x90000047  }
0x1cc: {  	s0 =	stileid.u32;
	[bflag:$0x2] =	sbarrier.arrive $0xFFFF  }
0x1cd: {  	p0 =	sne.s32 s0, $0x0;
	s0 =	rddreg [dreg:$0x4]  }
0x1ce: {  	s0 =	sadd.s32 @!p0 $0x100000, s0  }
0x1cf: {  	[sflag:s0] =	ssyncadd.tile.s32 @!p0 $0x1;
	_ =	shalt  }
.Lfunc_end2:
_tile_overlayer_lowered:
.L_overlay_start_2:
0x1d0: {  	(tag) =	ssettag $0x2  }
0x1d1: {  	s0 =	rddreg [dreg:$0x0];
	s2 =	stileid.u32  }
0x1d2: {  	s1 =	rddreg [dreg:$0x1];
	p0 =	sne.s32 s2, $0x0  }
0x1d3: {  	s3 =	rddreg [dreg:$0x2];
	[bflag:$0x3] =	sbarrier.arrive $0xFFFF;
	s2 =	simm.s32 @!p0 $0x1C0A  }
0x1d4: {  	[timem:s3], [sflag:s2] =	dma.local @!p0 [hbm:s0], s1  }
0x1d5: {  	s0 =	simm.s32 @!p0 $0xA  }
0x1d6: {  	_ =	swait.ge @!p0 [sflag:s0], s1  }
0x1d7: {  	s1 =	ssub.s32 @!p0 $0x0, s1;
	[sflag:s0] =	ssyncset.done @!p0 $0x0  }
0x1d8: {  	[sflag:s0] =	ssyncadd.s32 @!p0 s1  }
0x1d9: {  	[bflag:$0x3] =	sbarrier.arrive $0xFFFF  }
0x1da: {  	_ =	shalt  }

</sc_bundles>
